<compile_context>
chip_gen: v7x
topology: tpu7x:2x2x1
jax: 0.10.2.dev20260603
libtpu: 0.0.44.dev20260713+nightly
codegen_flags: <defaults>
</compile_context>

<pallas_src>
import jax
import jax.numpy as jnp
from jax import lax
from jax.experimental import pallas as pl
from jax.experimental.pallas import tpu as pltpu
from jax.experimental.pallas import tpu_sc as plsc

N = 10000
D = 128
E = 320000
NC = 2
NS = 16
NPAD = 10240
ROWS_PER_TILE = NPAD // NS
CHUNK = 80
CHUNKS_PER_TILE = E // (NC * NS * CHUNK)
NGROUP = 5
GCHUNKS = CHUNKS_PER_TILE // NGROUP
ZROWS = 16
NBUF = 3


def _sc_agg_body(feat_hbm, ei_hbm, psum_hbm, pcnt_hbm,
                 acc_sh, cnt_sh, sidx, didx, rows0, rows1, rows2,
                 ones_v, zrows, zcnt, semg, sems):
    rows = (rows0, rows1, rows2)
    c = lax.axis_index("core")
    s = lax.axis_index("subcore")
    t = c * NS + s

    @pl.loop(0, CHUNK // 16)
    def _(k):
        ones_v[pl.ds(k * 16, 16)] = jnp.ones((16,), jnp.float32)

    @pl.loop(0, ZROWS)
    def _(r):
        @pl.loop(0, D // 16)
        def _(k):
            zrows[r, pl.ds(k * 16, 16)] = jnp.zeros((16,), jnp.float32)

    @pl.loop(0, ROWS_PER_TILE // 16)
    def _(k):
        zcnt[pl.ds(k * 16, 16)] = jnp.zeros((16,), jnp.float32)

    @pl.loop(0, ROWS_PER_TILE // ZROWS)
    def _(j):
        off = s * ROWS_PER_TILE + j * ZROWS
        pltpu.async_copy(zrows, acc_sh.at[pl.ds(off, ZROWS)], sems.at[0])
    pltpu.async_copy(zcnt, cnt_sh.at[pl.ds(s * ROWS_PER_TILE, ROWS_PER_TILE)],
                     sems.at[1])

    @pl.loop(0, ROWS_PER_TILE // ZROWS)
    def _(j):
        pltpu.make_async_copy(zrows, acc_sh.at[pl.ds(s * ROWS_PER_TILE,
                                                     ZROWS)],
                              sems.at[0]).wait()
    pltpu.make_async_copy(zcnt, cnt_sh.at[pl.ds(s * ROWS_PER_TILE,
                                                ROWS_PER_TILE)],
                          sems.at[1]).wait()

    plane0 = t * NGROUP
    pltpu.async_copy(ei_hbm.at[0, plane0], sidx, semg.at[0])
    pltpu.async_copy(ei_hbm.at[1, plane0], didx, semg.at[1])
    pltpu.make_async_copy(ei_hbm.at[0, plane0], sidx, semg.at[0]).wait()
    pltpu.make_async_copy(ei_hbm.at[1, plane0], didx, semg.at[1]).wait()
    for b in range(NBUF):
        pltpu.async_copy(feat_hbm.at[sidx.at[b]], rows[b], semg.at[b])

    plsc.subcore_barrier()

    @pl.loop(0, NGROUP)
    def _(g):
        @pl.when(g > 0)
        def _():
            plane = t * NGROUP + g
            pltpu.async_copy(ei_hbm.at[0, plane], sidx, semg.at[0])
            pltpu.async_copy(ei_hbm.at[1, plane], didx, semg.at[1])
            pltpu.make_async_copy(ei_hbm.at[0, plane], sidx,
                                  semg.at[0]).wait()
            pltpu.make_async_copy(ei_hbm.at[1, plane], didx,
                                  semg.at[1]).wait()
            for b in range(NBUF):
                pltpu.async_copy(feat_hbm.at[sidx.at[b]], rows[b],
                                 semg.at[b])

        @pl.loop(0, GCHUNKS, step=NBUF)
        def _(i):
            for b in range(NBUF):
                j = i + b

                @pl.when(j < GCHUNKS)
                def _():
                    pltpu.make_async_copy(feat_hbm.at[sidx.at[j]], rows[b],
                                          semg.at[b]).wait()
                    pltpu.async_copy(rows[b], acc_sh.at[didx.at[j]],
                                     sems.at[b], add=True)
                    pltpu.sync_copy(ones_v, cnt_sh.at[didx.at[j]], add=True)

                @pl.when(j + NBUF < GCHUNKS)
                def _():
                    pltpu.make_async_copy(rows[b], acc_sh.at[didx.at[j]],
                                          sems.at[b]).wait()
                    pltpu.async_copy(feat_hbm.at[sidx.at[j + NBUF]], rows[b],
                                     semg.at[b])

        for b in range(NBUF):
            pltpu.make_async_copy(rows[b], acc_sh.at[didx.at[0]],
                                  sems.at[b]).wait()

    plsc.subcore_barrier()

    off = s * ROWS_PER_TILE
    pltpu.async_copy(acc_sh.at[pl.ds(off, ROWS_PER_TILE)],
                     psum_hbm.at[c, pl.ds(off, ROWS_PER_TILE)], semg.at[0])
    pltpu.async_copy(cnt_sh.at[pl.ds(off, ROWS_PER_TILE)],
                     pcnt_hbm.at[c, pl.ds(off, ROWS_PER_TILE)], semg.at[1])
    pltpu.make_async_copy(acc_sh.at[pl.ds(off, ROWS_PER_TILE)],
                          psum_hbm.at[c, pl.ds(off, ROWS_PER_TILE)],
                          semg.at[0]).wait()
    pltpu.make_async_copy(cnt_sh.at[pl.ds(off, ROWS_PER_TILE)],
                          pcnt_hbm.at[c, pl.ds(off, ROWS_PER_TILE)],
                          semg.at[1]).wait()


def _sc_agg(feat, ei):
    mesh = plsc.VectorSubcoreMesh(core_axis_name="core",
                                  subcore_axis_name="subcore")
    f = pl.kernel(
        _sc_agg_body,
        out_type=[
            jax.ShapeDtypeStruct((NC, NPAD, D), jnp.float32),
            jax.ShapeDtypeStruct((NC, NPAD), jnp.float32),
        ],
        mesh=mesh,
        scratch_types=[
            pltpu.VMEM_SHARED((NPAD, D), jnp.float32),
            pltpu.VMEM_SHARED((NPAD,), jnp.float32),
            pltpu.VMEM((GCHUNKS, CHUNK), jnp.int32),
            pltpu.VMEM((GCHUNKS, CHUNK), jnp.int32),
            pltpu.VMEM((CHUNK, D), jnp.float32),
            pltpu.VMEM((CHUNK, D), jnp.float32),
            pltpu.VMEM((CHUNK, D), jnp.float32),
            pltpu.VMEM((CHUNK,), jnp.float32),
            pltpu.VMEM((ZROWS, D), jnp.float32),
            pltpu.VMEM((ROWS_PER_TILE,), jnp.float32),
            pltpu.SemaphoreType.DMA((NBUF,)),
            pltpu.SemaphoreType.DMA((NBUF,)),
        ],
    )
    return f(feat, ei)


def _tc_body(ps_ref, pc_ref, w_ref, o_ref):
    p = ps_ref[...]
    ssum = p[0] + p[1]
    cc = pc_ref[...]
    deg = jnp.maximum(cc[0] + cc[1], 1.0)
    h = (ssum / deg).astype(jnp.bfloat16)
    o_ref[...] = lax.dot_general(h, w_ref[...], (((1,), (1,)), ((), ())),
                                 preferred_element_type=jnp.float32)


def _tc_finish(psum, pcnt3, w):
    blk = 5000
    return pl.pallas_call(
        _tc_body,
        grid=(N // blk,),
        in_specs=[
            pl.BlockSpec((NC, blk, D), lambda i: (0, i, 0)),
            pl.BlockSpec((NC, blk, 1), lambda i: (0, i, 0)),
            pl.BlockSpec((D, D), lambda i: (0, 0)),
        ],
        out_specs=pl.BlockSpec((blk, D), lambda i: (i, 0)),
        out_shape=jax.ShapeDtypeStruct((N, D), jnp.float32),
    )(psum, pcnt3, w.astype(jnp.bfloat16))


def kernel(feat, edge_index, W_neigh):
    ei = edge_index.reshape(2, NC * NS * NGROUP, GCHUNKS, CHUNK)
    psum, pcnt = _sc_agg(feat, ei)
    return _tc_finish(psum, pcnt.reshape(NC, NPAD, 1), W_neigh)

# --- scband reference (transcript-rebuilt; emitter-appended) ---
"""Pipeline reference for scband-accconv-81329500717449 (READ-ONLY COPY).

The authoritative reference and input builder live on the scoring server;
editing this copy changes nothing except your own understanding.
"""

import jax, jax.numpy as jnp
import numpy as np

N = 10000
E = 320000
D_IN = 128
D_OUT = 128

def setup_inputs(seed: int = 0) -> dict:
    key = jax.random.key(seed)
    k1, k2, k3 = jax.random.split(key, 3)
    feat = jax.random.normal(k1, (N, D_IN), dtype=jnp.float32)
    edge_index = jax.random.randint(k2, (2, E), 0, N, dtype=jnp.int32)
    # fc_neigh weight of the inner OneDirSAGEConv (Linear in_feats->out_feats, no bias)
    W_neigh = jax.random.normal(k3, (D_OUT, D_IN), dtype=jnp.float32) * 0.05
    return {"feat": feat, "edge_index": edge_index, "W_neigh": W_neigh}

def reference(feat, edge_index, W_neigh):
    # OneDirSAGEConv with aggregator_type='mean', feat_drop=0.0:
    #   gather source features along edges, mean-aggregate into destination nodes,
    #   then apply fc_neigh. ACCConv returns neigh_rst (activation=None, norm=None).
    src = edge_index[0]
    dst = edge_index[1]
    msgs = jnp.take(feat, src, axis=0)                                   # [E, D_IN] gather
    summed = jax.ops.segment_sum(msgs, dst, num_segments=N)              # [N, D_IN] scatter-add
    deg = jax.ops.segment_sum(jnp.ones((E,), dtype=feat.dtype), dst, num_segments=N)
    deg = jnp.clip(deg, 1.0)
    h_neigh = summed / deg[:, None]                                      # mean aggregation
    neigh_rst = h_neigh @ W_neigh.T                                      # fc_neigh, bias=False
    return neigh_rst

if __name__ == "__main__":
    import jax
    _d = setup_inputs()
    print(jax.jit(kernel)(*tuple(_d.values())))

</pallas_src>

<mosaic_0001>
#map = affine_map<(d0, d1) -> (0, 0)>
#map1 = affine_map<(d0, d1) -> (0, 0, 0, 0)>
#map2 = affine_map<(d0, d1) -> (0, 0, 0)>
module attributes {stable_mosaic.version = 14 : i64} {
  func.func @_sc_agg_body(%arg0: i32, %arg1: i32, %arg2: memref<10000x128xf32, #tpu.memory_space<hbm>>, %arg3: memref<2x160x25x80xi32, #tpu.memory_space<hbm>>, %arg4: memref<2x10240x128xf32, #tpu.memory_space<hbm>>, %arg5: memref<2x10240xf32, #tpu.memory_space<hbm>>, %arg6: memref<10240x128xf32, #tpu.memory_space<vmem_shared>>, %arg7: memref<10240xf32, #tpu.memory_space<vmem_shared>>, %arg8: memref<25x80xi32, #tpu.memory_space<vmem>>, %arg9: memref<25x80xi32, #tpu.memory_space<vmem>>, %arg10: memref<80x128xf32, #tpu.memory_space<vmem>>, %arg11: memref<80x128xf32, #tpu.memory_space<vmem>>, %arg12: memref<80x128xf32, #tpu.memory_space<vmem>>, %arg13: memref<80xf32, #tpu.memory_space<vmem>>, %arg14: memref<16x128xf32, #tpu.memory_space<vmem>>, %arg15: memref<640xf32, #tpu.memory_space<vmem>>, %arg16: memref<3x!tpu.dma_semaphore, #tpu.memory_space<semaphore_mem>>, %arg17: memref<3x!tpu.dma_semaphore, #tpu.memory_space<semaphore_mem>>) attributes {dimension_semantics = [#tpu.dimension_semantics<core_parallel>, #tpu.dimension_semantics<subcore_parallel>], iteration_bounds = array<i64: 2, 16>, scalar_prefetch = 0 : i64, scratch_operands = 12 : i64, tpu.core_type = #tpu.core_type<sc_vector_subcore>, window_params = [{transform_indices = #map}, {transform_indices = #map1}, {transform_indices = #map2}, {transform_indices = #map}]} {
    %mul3A = arith.constant 16 : i32
    %mul3A_0 = arith.muli %arg0, %mul3A : i32
    %add3A = arith.addi %mul3A_0, %arg1 : i32
    %scan3A = arith.constant 0 : i32
    %scan3A_1 = arith.constant 5 : i32
    %scan3A_2 = arith.addi %scan3A, %scan3A_1 : i32
    %scan3A_3 = arith.constant 1 : i32
    scf.for %scan3A_153 = %scan3A to %scan3A_2 step %scan3A_3  : i32 {
      %mul3A_154 = arith.constant 1 : i32
      %mul3A_155 = arith.muli %scan3A_153, %mul3A_154 : i32
      %add3A_156 = arith.constant 0 : i32
      %add3A_157 = arith.addi %add3A_156, %mul3A_155 : i32
      %broadcast_in_dim3A = arith.constant 1.000000e+00 : f32
      %broadcast_in_dim3A_158 = vector.broadcast %broadcast_in_dim3A : f32 to vector<16xf32>
      %mul3A_159 = arith.constant 16 : i32
      %mul3A_160 = arith.muli %add3A_157, %mul3A_159 : i32
      %swap3A = arith.index_cast %mul3A_160 : i32 to index
      %swap3A_161 = tpu.vector_load %arg13[%swap3A] {strides = array<i32>} : memref<80xf32, #tpu.memory_space<vmem>>, vector<16xf32>,
      %swap3A_162 = vector.shape_cast %swap3A_161 : vector<16xf32> to vector<16xf32>
      %swap3A_163 = vector.shape_cast %broadcast_in_dim3A_158 : vector<16xf32> to vector<16xf32>
      tpu.vector_store %arg13[%swap3A], %swap3A_163 {strides = array<i32>} : memref<80xf32, #tpu.memory_space<vmem>>, vector<16xf32>,
    }
    %scan3A_4 = arith.constant 5 : i32
    %scan3A_5 = arith.constant 0 : i32
    %scan3A_6 = arith.constant 16 : i32
    %scan3A_7 = arith.addi %scan3A_5, %scan3A_6 : i32
    %scan3A_8 = arith.constant 1 : i32
    scf.for %scan3A_153 = %scan3A_5 to %scan3A_7 step %scan3A_8  : i32 {
      %mul3A_154 = arith.constant 1 : i32
      %mul3A_155 = arith.muli %scan3A_153, %mul3A_154 : i32
      %add3A_156 = arith.constant 0 : i32
      %add3A_157 = arith.addi %add3A_156, %mul3A_155 : i32
      %scan3A_158 = arith.constant 0 : i32
      %scan3A_159 = arith.constant 8 : i32
      %scan3A_160 = arith.addi %scan3A_158, %scan3A_159 : i32
      %scan3A_161 = arith.constant 1 : i32
      scf.for %scan3A_163 = %scan3A_158 to %scan3A_160 step %scan3A_161  : i32 {
        %mul3A_164 = arith.constant 1 : i32
        %mul3A_165 = arith.muli %scan3A_163, %mul3A_164 : i32
        %add3A_166 = arith.constant 0 : i32
        %add3A_167 = arith.addi %add3A_166, %mul3A_165 : i32
        %broadcast_in_dim3A = arith.constant 0.000000e+00 : f32
        %broadcast_in_dim3A_168 = vector.broadcast %broadcast_in_dim3A : f32 to vector<16xf32>
        %mul3A_169 = arith.constant 16 : i32
        %mul3A_170 = arith.muli %add3A_167, %mul3A_169 : i32
        %swap3A = arith.index_cast %add3A_157 : i32 to index
        %swap3A_171 = arith.index_cast %mul3A_170 : i32 to index
        %swap3A_172 = tpu.vector_load %arg14[%swap3A, %swap3A_171] {strides = array<i32>} : memref<16x128xf32, #tpu.memory_space<vmem>>, vector<1x16xf32>,
        %swap3A_173 = vector.shape_cast %swap3A_172 : vector<1x16xf32> to vector<16xf32>
        %swap3A_174 = vector.shape_cast %broadcast_in_dim3A_168 : vector<16xf32> to vector<1x16xf32>
        tpu.vector_store %arg14[%swap3A, %swap3A_171], %swap3A_174 {strides = array<i32>} : memref<16x128xf32, #tpu.memory_space<vmem>>, vector<1x16xf32>,
      }
      %scan3A_162 = arith.constant 8 : i32
    }
    %scan3A_9 = arith.constant 16 : i32
    %scan3A_10 = arith.constant 0 : i32
    %scan3A_11 = arith.constant 40 : i32
    %scan3A_12 = arith.addi %scan3A_10, %scan3A_11 : i32
    %scan3A_13 = arith.constant 1 : i32
    scf.for %scan3A_153 = %scan3A_10 to %scan3A_12 step %scan3A_13  : i32 {
      %mul3A_154 = arith.constant 1 : i32
      %mul3A_155 = arith.muli %scan3A_153, %mul3A_154 : i32
      %add3A_156 = arith.constant 0 : i32
      %add3A_157 = arith.addi %add3A_156, %mul3A_155 : i32
      %broadcast_in_dim3A = arith.constant 0.000000e+00 : f32
      %broadcast_in_dim3A_158 = vector.broadcast %broadcast_in_dim3A : f32 to vector<16xf32>
      %mul3A_159 = arith.constant 16 : i32
      %mul3A_160 = arith.muli %add3A_157, %mul3A_159 : i32
      %swap3A = arith.index_cast %mul3A_160 : i32 to index
      %swap3A_161 = tpu.vector_load %arg15[%swap3A] {strides = array<i32>} : memref<640xf32, #tpu.memory_space<vmem>>, vector<16xf32>,
      %swap3A_162 = vector.shape_cast %swap3A_161 : vector<16xf32> to vector<16xf32>
      %swap3A_163 = vector.shape_cast %broadcast_in_dim3A_158 : vector<16xf32> to vector<16xf32>
      tpu.vector_store %arg15[%swap3A], %swap3A_163 {strides = array<i32>} : memref<640xf32, #tpu.memory_space<vmem>>, vector<16xf32>,
    }
    %scan3A_14 = arith.constant 40 : i32
    %scan3A_15 = arith.constant 0 : i32
    %scan3A_16 = arith.constant 40 : i32
    %scan3A_17 = arith.addi %scan3A_15, %scan3A_16 : i32
    %scan3A_18 = arith.constant 1 : i32
    scf.for %scan3A_153 = %scan3A_15 to %scan3A_17 step %scan3A_18  : i32 {
      %mul3A_154 = arith.constant 1 : i32
      %mul3A_155 = arith.muli %scan3A_153, %mul3A_154 : i32
      %add3A_156 = arith.constant 0 : i32
      %add3A_157 = arith.addi %add3A_156, %mul3A_155 : i32
      %mul3A_158 = arith.constant 640 : i32
      %mul3A_159 = arith.muli %arg1, %mul3A_158 : i32
      %mul3A_160 = arith.constant 16 : i32
      %mul3A_161 = arith.muli %add3A_157, %mul3A_160 : i32
      %add3A_162 = arith.addi %mul3A_159, %mul3A_161 : i32
      %dma_start3A_163 = arith.constant 0 : i32
      %dma_start3A_164 = arith.constant 0 : i32
      %dma_start3A_165 = tpu.memref_slice %arg6[%add3A_162, %dma_start3A_164] : memref<10240x128xf32, #tpu.memory_space<vmem_shared>> -> memref<16x128xf32, #tpu.memory_space<vmem_shared>>
      %dma_start3A_166 = tpu.memref_slice %arg17[%dma_start3A_163] : memref<3x!tpu.dma_semaphore, #tpu.memory_space<semaphore_mem>> -> memref<1x!tpu.dma_semaphore, #tpu.memory_space<semaphore_mem>>
      %dma_start3A_167 = tpu.memref_squeeze %dma_start3A_166 : memref<1x!tpu.dma_semaphore, #tpu.memory_space<semaphore_mem>> -> memref<!tpu.dma_semaphore, #tpu.memory_space<semaphore_mem>>
      %dma_start3A_168 = arith.constant 0 : i32
      %dma_start3A_169 = tpu.memref_slice %arg6[%add3A_162, %dma_start3A_168] : memref<10240x128xf32, #tpu.memory_space<vmem_shared>> -> memref<16x128xf32, #tpu.memory_space<vmem_shared>>
      tpu.enqueue_dma source(%arg14 : memref<16x128xf32, #tpu.memory_space<vmem>>) target(%dma_start3A_169 : memref<16x128xf32, #tpu.memory_space<vmem_shared>>) target_semaphore(%dma_start3A_167 : memref<!tpu.dma_semaphore, #tpu.memory_space<semaphore_mem>>)
    }
    %scan3A_19 = arith.constant 40 : i32
    %mul3A_20 = arith.constant 640 : i32
    %mul3A_21 = arith.muli %arg1, %mul3A_20 : i32
    %dma_start3A = arith.constant 1 : i32
    %dma_start3A_22 = tpu.memref_slice %arg7[%mul3A_21] : memref<10240xf32, #tpu.memory_space<vmem_shared>> -> memref<640xf32, #tpu.memory_space<vmem_shared>>
    %dma_start3A_23 = tpu.memref_slice %arg17[%dma_start3A] : memref<3x!tpu.dma_semaphore, #tpu.memory_space<semaphore_mem>> -> memref<1x!tpu.dma_semaphore, #tpu.memory_space<semaphore_mem>>
    %dma_start3A_24 = tpu.memref_squeeze %dma_start3A_23 : memref<1x!tpu.dma_semaphore, #tpu.memory_space<semaphore_mem>> -> memref<!tpu.dma_semaphore, #tpu.memory_space<semaphore_mem>>
    %dma_start3A_25 = tpu.memref_slice %arg7[%mul3A_21] : memref<10240xf32, #tpu.memory_space<vmem_shared>> -> memref<640xf32, #tpu.memory_space<vmem_shared>>
    tpu.enqueue_dma source(%arg15 : memref<640xf32, #tpu.memory_space<vmem>>) target(%dma_start3A_25 : memref<640xf32, #tpu.memory_space<vmem_shared>>) target_semaphore(%dma_start3A_24 : memref<!tpu.dma_semaphore, #tpu.memory_space<semaphore_mem>>)
    %scan3A_26 = arith.constant 0 : i32
    %scan3A_27 = arith.constant 40 : i32
    %scan3A_28 = arith.addi %scan3A_26, %scan3A_27 : i32
    %scan3A_29 = arith.constant 1 : i32
    scf.for %scan3A_153 = %scan3A_26 to %scan3A_28 step %scan3A_29  : i32 {
      %mul3A_154 = arith.constant 1 : i32
      %mul3A_155 = arith.muli %scan3A_153, %mul3A_154 : i32
      %add3A_156 = arith.constant 0 : i32
      %add3A_157 = arith.addi %add3A_156, %mul3A_155 : i32
      %mul3A_158 = arith.constant 640 : i32
      %mul3A_159 = arith.muli %arg1, %mul3A_158 : i32
      %dma_wait3A_160 = arith.constant 0 : i32
      %dma_wait3A_161 = arith.constant 0 : i32
      %dma_wait3A_162 = tpu.memref_slice %arg6[%mul3A_159, %dma_wait3A_161] : memref<10240x128xf32, #tpu.memory_space<vmem_shared>> -> memref<16x128xf32, #tpu.memory_space<vmem_shared>>
      %dma_wait3A_163 = tpu.memref_slice %arg17[%dma_wait3A_160] : memref<3x!tpu.dma_semaphore, #tpu.memory_space<semaphore_mem>> -> memref<1x!tpu.dma_semaphore, #tpu.memory_space<semaphore_mem>>
      %dma_wait3A_164 = tpu.memref_squeeze %dma_wait3A_163 : memref<1x!tpu.dma_semaphore, #tpu.memory_space<semaphore_mem>> -> memref<!tpu.dma_semaphore, #tpu.memory_space<semaphore_mem>>
      %dma_wait3A_165 = arith.constant 0 : i32
      %dma_wait3A_166 = tpu.memref_slice %arg6[%mul3A_159, %dma_wait3A_165] : memref<10240x128xf32, #tpu.memory_space<vmem_shared>> -> memref<16x128xf32, #tpu.memory_space<vmem_shared>>
      tpu.wait_dma2 semaphore(%dma_wait3A_164 : memref<!tpu.dma_semaphore, #tpu.memory_space<semaphore_mem>>) src(%arg14 : memref<16x128xf32, #tpu.memory_space<vmem>>) dst(%dma_wait3A_166 : memref<16x128xf32, #tpu.memory_space<vmem_shared>>)
    }
    %scan3A_30 = arith.constant 40 : i32
    %mul3A_31 = arith.constant 640 : i32
    %mul3A_32 = arith.muli %arg1, %mul3A_31 : i32
    %dma_wait3A = arith.constant 1 : i32
    %dma_wait3A_33 = tpu.memref_slice %arg7[%mul3A_32] : memref<10240xf32, #tpu.memory_space<vmem_shared>> -> memref<640xf32, #tpu.memory_space<vmem_shared>>
    %dma_wait3A_34 = tpu.memref_slice %arg17[%dma_wait3A] : memref<3x!tpu.dma_semaphore, #tpu.memory_space<semaphore_mem>> -> memref<1x!tpu.dma_semaphore, #tpu.memory_space<semaphore_mem>>
    %dma_wait3A_35 = tpu.memref_squeeze %dma_wait3A_34 : memref<1x!tpu.dma_semaphore, #tpu.memory_space<semaphore_mem>> -> memref<!tpu.dma_semaphore, #tpu.memory_space<semaphore_mem>>
    %dma_wait3A_36 = tpu.memref_slice %arg7[%mul3A_32] : memref<10240xf32, #tpu.memory_space<vmem_shared>> -> memref<640xf32, #tpu.memory_space<vmem_shared>>
    tpu.wait_dma2 semaphore(%dma_wait3A_35 : memref<!tpu.dma_semaphore, #tpu.memory_space<semaphore_mem>>) src(%arg15 : memref<640xf32, #tpu.memory_space<vmem>>) dst(%dma_wait3A_36 : memref<640xf32, #tpu.memory_space<vmem_shared>>)
    %mul3A_37 = arith.constant 5 : i32
    %mul3A_38 = arith.muli %add3A, %mul3A_37 : i32
    %dma_start3A_39 = arith.constant 0 : i32
    %dma_start3A_40 = arith.constant 0 : i32
    %dma_start3A_41 = arith.constant 0 : i32
    %dma_start3A_42 = arith.constant 0 : i32
    %dma_start3A_43 = tpu.memref_slice %arg3[%dma_start3A_39, %mul3A_38, %dma_start3A_41, %dma_start3A_42] : memref<2x160x25x80xi32, #tpu.memory_space<hbm>> -> memref<1x1x25x80xi32, #tpu.memory_space<hbm>>
    %dma_start3A_44 = tpu.memref_squeeze %dma_start3A_43 : memref<1x1x25x80xi32, #tpu.memory_space<hbm>> -> memref<25x80xi32, #tpu.memory_space<hbm>>
    %dma_start3A_45 = tpu.memref_slice %arg16[%dma_start3A_40] : memref<3x!tpu.dma_semaphore, #tpu.memory_space<semaphore_mem>> -> memref<1x!tpu.dma_semaphore, #tpu.memory_space<semaphore_mem>>
    %dma_start3A_46 = tpu.memref_squeeze %dma_start3A_45 : memref<1x!tpu.dma_semaphore, #tpu.memory_space<semaphore_mem>> -> memref<!tpu.dma_semaphore, #tpu.memory_space<semaphore_mem>>
    %dma_start3A_47 = arith.constant 0 : i32
    %dma_start3A_48 = arith.constant 0 : i32
    %dma_start3A_49 = tpu.memref_slice %arg3[%dma_start3A_39, %mul3A_38, %dma_start3A_47, %dma_start3A_48] : memref<2x160x25x80xi32, #tpu.memory_space<hbm>> -> memref<1x1x25x80xi32, #tpu.memory_space<hbm>>
    %dma_start3A_50 = tpu.memref_squeeze %dma_start3A_49 : memref<1x1x25x80xi32, #tpu.memory_space<hbm>> -> memref<25x80xi32, #tpu.memory_space<hbm>>
    tpu.enqueue_dma source(%dma_start3A_50 : memref<25x80xi32, #tpu.memory_space<hbm>>) target(%arg8 : memref<25x80xi32, #tpu.memory_space<vmem>>) target_semaphore(%dma_start3A_46 : memref<!tpu.dma_semaphore, #tpu.memory_space<semaphore_mem>>)
    %dma_start3A_51 = arith.constant 1 : i32
    %dma_start3A_52 = arith.constant 1 : i32
    %dma_start3A_53 = arith.constant 0 : i32
    %dma_start3A_54 = arith.constant 0 : i32
    %dma_start3A_55 = tpu.memref_slice %arg3[%dma_start3A_51, %mul3A_38, %dma_start3A_53, %dma_start3A_54] : memref<2x160x25x80xi32, #tpu.memory_space<hbm>> -> memref<1x1x25x80xi32, #tpu.memory_space<hbm>>
    %dma_start3A_56 = tpu.memref_squeeze %dma_start3A_55 : memref<1x1x25x80xi32, #tpu.memory_space<hbm>> -> memref<25x80xi32, #tpu.memory_space<hbm>>
    %dma_start3A_57 = tpu.memref_slice %arg16[%dma_start3A_52] : memref<3x!tpu.dma_semaphore, #tpu.memory_space<semaphore_mem>> -> memref<1x!tpu.dma_semaphore, #tpu.memory_space<semaphore_mem>>
    %dma_start3A_58 = tpu.memref_squeeze %dma_start3A_57 : memref<1x!tpu.dma_semaphore, #tpu.memory_space<semaphore_mem>> -> memref<!tpu.dma_semaphore, #tpu.memory_space<semaphore_mem>>
    %dma_start3A_59 = arith.constant 0 : i32
    %dma_start3A_60 = arith.constant 0 : i32
    %dma_start3A_61 = tpu.memref_slice %arg3[%dma_start3A_51, %mul3A_38, %dma_start3A_59, %dma_start3A_60] : memref<2x160x25x80xi32, #tpu.memory_space<hbm>> -> memref<1x1x25x80xi32, #tpu.memory_space<hbm>>
    %dma_start3A_62 = tpu.memref_squeeze %dma_start3A_61 : memref<1x1x25x80xi32, #tpu.memory_space<hbm>> -> memref<25x80xi32, #tpu.memory_space<hbm>>
    tpu.enqueue_dma source(%dma_start3A_62 : memref<25x80xi32, #tpu.memory_space<hbm>>) target(%arg9 : memref<25x80xi32, #tpu.memory_space<vmem>>) target_semaphore(%dma_start3A_58 : memref<!tpu.dma_semaphore, #tpu.memory_space<semaphore_mem>>)
    %dma_wait3A_63 = arith.constant 0 : i32
    %dma_wait3A_64 = arith.constant 0 : i32
    %dma_wait3A_65 = arith.constant 0 : i32
    %dma_wait3A_66 = arith.constant 0 : i32
    %dma_wait3A_67 = tpu.memref_slice %arg3[%dma_wait3A_63, %mul3A_38, %dma_wait3A_65, %dma_wait3A_66] : memref<2x160x25x80xi32, #tpu.memory_space<hbm>> -> memref<1x1x25x80xi32, #tpu.memory_space<hbm>>
    %dma_wait3A_68 = tpu.memref_squeeze %dma_wait3A_67 : memref<1x1x25x80xi32, #tpu.memory_space<hbm>> -> memref<25x80xi32, #tpu.memory_space<hbm>>
    %dma_wait3A_69 = tpu.memref_slice %arg16[%dma_wait3A_64] : memref<3x!tpu.dma_semaphore, #tpu.memory_space<semaphore_mem>> -> memref<1x!tpu.dma_semaphore, #tpu.memory_space<semaphore_mem>>
    %dma_wait3A_70 = tpu.memref_squeeze %dma_wait3A_69 : memref<1x!tpu.dma_semaphore, #tpu.memory_space<semaphore_mem>> -> memref<!tpu.dma_semaphore, #tpu.memory_space<semaphore_mem>>
    %dma_wait3A_71 = arith.constant 0 : i32
    %dma_wait3A_72 = arith.constant 0 : i32
    %dma_wait3A_73 = tpu.memref_slice %arg3[%dma_wait3A_63, %mul3A_38, %dma_wait3A_71, %dma_wait3A_72] : memref<2x160x25x80xi32, #tpu.memory_space<hbm>> -> memref<1x1x25x80xi32, #tpu.memory_space<hbm>>
    %dma_wait3A_74 = tpu.memref_squeeze %dma_wait3A_73 : memref<1x1x25x80xi32, #tpu.memory_space<hbm>> -> memref<25x80xi32, #tpu.memory_space<hbm>>
    tpu.wait_dma2 semaphore(%dma_wait3A_70 : memref<!tpu.dma_semaphore, #tpu.memory_space<semaphore_mem>>) src(%dma_wait3A_74 : memref<25x80xi32, #tpu.memory_space<hbm>>) dst(%arg8 : memref<25x80xi32, #tpu.memory_space<vmem>>)
    %dma_wait3A_75 = arith.constant 1 : i32
    %dma_wait3A_76 = arith.constant 1 : i32
    %dma_wait3A_77 = arith.constant 0 : i32
    %dma_wait3A_78 = arith.constant 0 : i32
    %dma_wait3A_79 = tpu.memref_slice %arg3[%dma_wait3A_75, %mul3A_38, %dma_wait3A_77, %dma_wait3A_78] : memref<2x160x25x80xi32, #tpu.memory_space<hbm>> -> memref<1x1x25x80xi32, #tpu.memory_space<hbm>>
    %dma_wait3A_80 = tpu.memref_squeeze %dma_wait3A_79 : memref<1x1x25x80xi32, #tpu.memory_space<hbm>> -> memref<25x80xi32, #tpu.memory_space<hbm>>
    %dma_wait3A_81 = tpu.memref_slice %arg16[%dma_wait3A_76] : memref<3x!tpu.dma_semaphore, #tpu.memory_space<semaphore_mem>> -> memref<1x!tpu.dma_semaphore, #tpu.memory_space<semaphore_mem>>
    %dma_wait3A_82 = tpu.memref_squeeze %dma_wait3A_81 : memref<1x!tpu.dma_semaphore, #tpu.memory_space<semaphore_mem>> -> memref<!tpu.dma_semaphore, #tpu.memory_space<semaphore_mem>>
    %dma_wait3A_83 = arith.constant 0 : i32
    %dma_wait3A_84 = arith.constant 0 : i32
    %dma_wait3A_85 = tpu.memref_slice %arg3[%dma_wait3A_75, %mul3A_38, %dma_wait3A_83, %dma_wait3A_84] : memref<2x160x25x80xi32, #tpu.memory_space<hbm>> -> memref<1x1x25x80xi32, #tpu.memory_space<hbm>>
    %dma_wait3A_86 = tpu.memref_squeeze %dma_wait3A_85 : memref<1x1x25x80xi32, #tpu.memory_space<hbm>> -> memref<25x80xi32, #tpu.memory_space<hbm>>
    tpu.wait_dma2 semaphore(%dma_wait3A_82 : memref<!tpu.dma_semaphore, #tpu.memory_space<semaphore_mem>>) src(%dma_wait3A_86 : memref<25x80xi32, #tpu.memory_space<hbm>>) dst(%arg9 : memref<25x80xi32, #tpu.memory_space<vmem>>)
    %dma_start3A_87 = arith.constant 0 : i32
    %dma_start3A_88 = arith.constant 0 : i32
    %dma_start3A_89 = arith.constant 0 : i32
    %dma_start3A_90 = tpu.memref_slice %arg8[%dma_start3A_87, %dma_start3A_89] : memref<25x80xi32, #tpu.memory_space<vmem>> -> memref<1x80xi32, #tpu.memory_space<vmem>>
    %dma_start3A_91 = tpu.memref_squeeze %dma_start3A_90 : memref<1x80xi32, #tpu.memory_space<vmem>> -> memref<80xi32, #tpu.memory_space<vmem>>
    %dma_start3A_92 = arith.constant 0 : i32
    %dma_start3A_93 = arith.constant 0 : i32
    %dma_start3A_94 = tpu.memref_slice %arg2[%dma_start3A_92, %dma_start3A_93] : memref<10000x128xf32, #tpu.memory_space<hbm>> -> memref<10000x128xf32, #tpu.memory_space<hbm>>
    %dma_start3A_95 = tpu.memref_slice %arg16[%dma_start3A_88] : memref<3x!tpu.dma_semaphore, #tpu.memory_space<semaphore_mem>> -> memref<1x!tpu.dma_semaphore, #tpu.memory_space<semaphore_mem>>
    %dma_start3A_96 = tpu.memref_squeeze %dma_start3A_95 : memref<1x!tpu.dma_semaphore, #tpu.memory_space<semaphore_mem>> -> memref<!tpu.dma_semaphore, #tpu.memory_space<semaphore_mem>>
    tpu.enqueue_indirect_dma source(%dma_start3A_94 : memref<10000x128xf32, #tpu.memory_space<hbm>>) target(%arg10 : memref<80x128xf32, #tpu.memory_space<vmem>>) offsets(%dma_start3A_91 : memref<80xi32, #tpu.memory_space<vmem>>) semaphore(%dma_start3A_96 : memref<!tpu.dma_semaphore, #tpu.memory_space<semaphore_mem>>)
    %dma_start3A_97 = arith.constant 1 : i32
    %dma_start3A_98 = arith.constant 1 : i32
    %dma_start3A_99 = arith.constant 0 : i32
    %dma_start3A_100 = tpu.memref_slice %arg8[%dma_start3A_97, %dma_start3A_99] : memref<25x80xi32, #tpu.memory_space<vmem>> -> memref<1x80xi32, #tpu.memory_space<vmem>>
    %dma_start3A_101 = tpu.memref_squeeze %dma_start3A_100 : memref<1x80xi32, #tpu.memory_space<vmem>> -> memref<80xi32, #tpu.memory_space<vmem>>
    %dma_start3A_102 = arith.constant 0 : i32
    %dma_start3A_103 = arith.constant 0 : i32
    %dma_start3A_104 = tpu.memref_slice %arg2[%dma_start3A_102, %dma_start3A_103] : memref<10000x128xf32, #tpu.memory_space<hbm>> -> memref<10000x128xf32, #tpu.memory_space<hbm>>
    %dma_start3A_105 = tpu.memref_slice %arg16[%dma_start3A_98] : memref<3x!tpu.dma_semaphore, #tpu.memory_space<semaphore_mem>> -> memref<1x!tpu.dma_semaphore, #tpu.memory_space<semaphore_mem>>
    %dma_start3A_106 = tpu.memref_squeeze %dma_start3A_105 : memref<1x!tpu.dma_semaphore, #tpu.memory_space<semaphore_mem>> -> memref<!tpu.dma_semaphore, #tpu.memory_space<semaphore_mem>>
    tpu.enqueue_indirect_dma source(%dma_start3A_104 : memref<10000x128xf32, #tpu.memory_space<hbm>>) target(%arg11 : memref<80x128xf32, #tpu.memory_space<vmem>>) offsets(%dma_start3A_101 : memref<80xi32, #tpu.memory_space<vmem>>) semaphore(%dma_start3A_106 : memref<!tpu.dma_semaphore, #tpu.memory_space<semaphore_mem>>)
    %dma_start3A_107 = arith.constant 2 : i32
    %dma_start3A_108 = arith.constant 2 : i32
    %dma_start3A_109 = arith.constant 0 : i32
    %dma_start3A_110 = tpu.memref_slice %arg8[%dma_start3A_107, %dma_start3A_109] : memref<25x80xi32, #tpu.memory_space<vmem>> -> memref<1x80xi32, #tpu.memory_space<vmem>>
    %dma_start3A_111 = tpu.memref_squeeze %dma_start3A_110 : memref<1x80xi32, #tpu.memory_space<vmem>> -> memref<80xi32, #tpu.memory_space<vmem>>
    %dma_start3A_112 = arith.constant 0 : i32
    %dma_start3A_113 = arith.constant 0 : i32
    %dma_start3A_114 = tpu.memref_slice %arg2[%dma_start3A_112, %dma_start3A_113] : memref<10000x128xf32, #tpu.memory_space<hbm>> -> memref<10000x128xf32, #tpu.memory_space<hbm>>
    %dma_start3A_115 = tpu.memref_slice %arg16[%dma_start3A_108] : memref<3x!tpu.dma_semaphore, #tpu.memory_space<semaphore_mem>> -> memref<1x!tpu.dma_semaphore, #tpu.memory_space<semaphore_mem>>
    %dma_start3A_116 = tpu.memref_squeeze %dma_start3A_115 : memref<1x!tpu.dma_semaphore, #tpu.memory_space<semaphore_mem>> -> memref<!tpu.dma_semaphore, #tpu.memory_space<semaphore_mem>>
    tpu.enqueue_indirect_dma source(%dma_start3A_114 : memref<10000x128xf32, #tpu.memory_space<hbm>>) target(%arg12 : memref<80x128xf32, #tpu.memory_space<vmem>>) offsets(%dma_start3A_111 : memref<80xi32, #tpu.memory_space<vmem>>) semaphore(%dma_start3A_116 : memref<!tpu.dma_semaphore, #tpu.memory_space<semaphore_mem>>)
    %barrier3A = arith.constant 0 : index
    tpu.barrier barrier_id(%barrier3A)
    %scan3A_117 = arith.constant 0 : i32
    %scan3A_118 = arith.constant 5 : i32
    %scan3A_119 = arith.addi %scan3A_117, %scan3A_118 : i32
    %scan3A_120 = arith.constant 1 : i32
    scf.for %scan3A_153 = %scan3A_117 to %scan3A_119 step %scan3A_120  : i32 {
      %mul3A_154 = arith.constant 1 : i32
      %mul3A_155 = arith.muli %scan3A_153, %mul3A_154 : i32
      %add3A_156 = arith.constant 0 : i32
      %add3A_157 = arith.addi %add3A_156, %mul3A_155 : i32
      %gt3A = arith.constant 0 : i32
      %gt3A_158 = arith.cmpi sgt, %add3A_157, %gt3A : i32
      %convert_element_type3A = arith.extui %gt3A_158 : i1 to i32
      %cond3A = arith.constant 0 : i32
      %cond3A_159 = arith.cmpi ne, %convert_element_type3A, %cond3A : i32
      scf.if %cond3A_159 {
        %mul3A_195 = arith.constant 5 : i32
        %mul3A_196 = arith.muli %add3A, %mul3A_195 : i32
        %add3A_197 = arith.addi %mul3A_196, %add3A_157 : i32
        %dma_start3A_198 = arith.constant 0 : i32
        %dma_start3A_199 = arith.constant 0 : i32
        %dma_start3A_200 = arith.constant 0 : i32
        %dma_start3A_201 = arith.constant 0 : i32
        %dma_start3A_202 = tpu.memref_slice %arg3[%dma_start3A_198, %add3A_197, %dma_start3A_200, %dma_start3A_201] : memref<2x160x25x80xi32, #tpu.memory_space<hbm>> -> memref<1x1x25x80xi32, #tpu.memory_space<hbm>>
        %dma_start3A_203 = tpu.memref_squeeze %dma_start3A_202 : memref<1x1x25x80xi32, #tpu.memory_space<hbm>> -> memref<25x80xi32, #tpu.memory_space<hbm>>
        %dma_start3A_204 = tpu.memref_slice %arg16[%dma_start3A_199] : memref<3x!tpu.dma_semaphore, #tpu.memory_space<semaphore_mem>> -> memref<1x!tpu.dma_semaphore, #tpu.memory_space<semaphore_mem>>
        %dma_start3A_205 = tpu.memref_squeeze %dma_start3A_204 : memref<1x!tpu.dma_semaphore, #tpu.memory_space<semaphore_mem>> -> memref<!tpu.dma_semaphore, #tpu.memory_space<semaphore_mem>>
        %dma_start3A_206 = arith.constant 0 : i32
        %dma_start3A_207 = arith.constant 0 : i32
        %dma_start3A_208 = tpu.memref_slice %arg3[%dma_start3A_198, %add3A_197, %dma_start3A_206, %dma_start3A_207] : memref<2x160x25x80xi32, #tpu.memory_space<hbm>> -> memref<1x1x25x80xi32, #tpu.memory_space<hbm>>
        %dma_start3A_209 = tpu.memref_squeeze %dma_start3A_208 : memref<1x1x25x80xi32, #tpu.memory_space<hbm>> -> memref<25x80xi32, #tpu.memory_space<hbm>>
        tpu.enqueue_dma source(%dma_start3A_209 : memref<25x80xi32, #tpu.memory_space<hbm>>) target(%arg8 : memref<25x80xi32, #tpu.memory_space<vmem>>) target_semaphore(%dma_start3A_205 : memref<!tpu.dma_semaphore, #tpu.memory_space<semaphore_mem>>)
        %dma_start3A_210 = arith.constant 1 : i32
        %dma_start3A_211 = arith.constant 1 : i32
        %dma_start3A_212 = arith.constant 0 : i32
        %dma_start3A_213 = arith.constant 0 : i32
        %dma_start3A_214 = tpu.memref_slice %arg3[%dma_start3A_210, %add3A_197, %dma_start3A_212, %dma_start3A_213] : memref<2x160x25x80xi32, #tpu.memory_space<hbm>> -> memref<1x1x25x80xi32, #tpu.memory_space<hbm>>
        %dma_start3A_215 = tpu.memref_squeeze %dma_start3A_214 : memref<1x1x25x80xi32, #tpu.memory_space<hbm>> -> memref<25x80xi32, #tpu.memory_space<hbm>>
        %dma_start3A_216 = tpu.memref_slice %arg16[%dma_start3A_211] : memref<3x!tpu.dma_semaphore, #tpu.memory_space<semaphore_mem>> -> memref<1x!tpu.dma_semaphore, #tpu.memory_space<semaphore_mem>>
        %dma_start3A_217 = tpu.memref_squeeze %dma_start3A_216 : memref<1x!tpu.dma_semaphore, #tpu.memory_space<semaphore_mem>> -> memref<!tpu.dma_semaphore, #tpu.memory_space<semaphore_mem>>
        %dma_start3A_218 = arith.constant 0 : i32
        %dma_start3A_219 = arith.constant 0 : i32
        %dma_start3A_220 = tpu.memref_slice %arg3[%dma_start3A_210, %add3A_197, %dma_start3A_218, %dma_start3A_219] : memref<2x160x25x80xi32, #tpu.memory_space<hbm>> -> memref<1x1x25x80xi32, #tpu.memory_space<hbm>>
        %dma_start3A_221 = tpu.memref_squeeze %dma_start3A_220 : memref<1x1x25x80xi32, #tpu.memory_space<hbm>> -> memref<25x80xi32, #tpu.memory_space<hbm>>
        tpu.enqueue_dma source(%dma_start3A_221 : memref<25x80xi32, #tpu.memory_space<hbm>>) target(%arg9 : memref<25x80xi32, #tpu.memory_space<vmem>>) target_semaphore(%dma_start3A_217 : memref<!tpu.dma_semaphore, #tpu.memory_space<semaphore_mem>>)
        %dma_wait3A_222 = arith.constant 0 : i32
        %dma_wait3A_223 = arith.constant 0 : i32
        %dma_wait3A_224 = arith.constant 0 : i32
        %dma_wait3A_225 = arith.constant 0 : i32
        %dma_wait3A_226 = tpu.memref_slice %arg3[%dma_wait3A_222, %add3A_197, %dma_wait3A_224, %dma_wait3A_225] : memref<2x160x25x80xi32, #tpu.memory_space<hbm>> -> memref<1x1x25x80xi32, #tpu.memory_space<hbm>>
        %dma_wait3A_227 = tpu.memref_squeeze %dma_wait3A_226 : memref<1x1x25x80xi32, #tpu.memory_space<hbm>> -> memref<25x80xi32, #tpu.memory_space<hbm>>
        %dma_wait3A_228 = tpu.memref_slice %arg16[%dma_wait3A_223] : memref<3x!tpu.dma_semaphore, #tpu.memory_space<semaphore_mem>> -> memref<1x!tpu.dma_semaphore, #tpu.memory_space<semaphore_mem>>
        %dma_wait3A_229 = tpu.memref_squeeze %dma_wait3A_228 : memref<1x!tpu.dma_semaphore, #tpu.memory_space<semaphore_mem>> -> memref<!tpu.dma_semaphore, #tpu.memory_space<semaphore_mem>>
        %dma_wait3A_230 = arith.constant 0 : i32
        %dma_wait3A_231 = arith.constant 0 : i32
        %dma_wait3A_232 = tpu.memref_slice %arg3[%dma_wait3A_222, %add3A_197, %dma_wait3A_230, %dma_wait3A_231] : memref<2x160x25x80xi32, #tpu.memory_space<hbm>> -> memref<1x1x25x80xi32, #tpu.memory_space<hbm>>
        %dma_wait3A_233 = tpu.memref_squeeze %dma_wait3A_232 : memref<1x1x25x80xi32, #tpu.memory_space<hbm>> -> memref<25x80xi32, #tpu.memory_space<hbm>>
        tpu.wait_dma2 semaphore(%dma_wait3A_229 : memref<!tpu.dma_semaphore, #tpu.memory_space<semaphore_mem>>) src(%dma_wait3A_233 : memref<25x80xi32, #tpu.memory_space<hbm>>) dst(%arg8 : memref<25x80xi32, #tpu.memory_space<vmem>>)
        %dma_wait3A_234 = arith.constant 1 : i32
        %dma_wait3A_235 = arith.constant 1 : i32
        %dma_wait3A_236 = arith.constant 0 : i32
        %dma_wait3A_237 = arith.constant 0 : i32
        %dma_wait3A_238 = tpu.memref_slice %arg3[%dma_wait3A_234, %add3A_197, %dma_wait3A_236, %dma_wait3A_237] : memref<2x160x25x80xi32, #tpu.memory_space<hbm>> -> memref<1x1x25x80xi32, #tpu.memory_space<hbm>>
        %dma_wait3A_239 = tpu.memref_squeeze %dma_wait3A_238 : memref<1x1x25x80xi32, #tpu.memory_space<hbm>> -> memref<25x80xi32, #tpu.memory_space<hbm>>
        %dma_wait3A_240 = tpu.memref_slice %arg16[%dma_wait3A_235] : memref<3x!tpu.dma_semaphore, #tpu.memory_space<semaphore_mem>> -> memref<1x!tpu.dma_semaphore, #tpu.memory_space<semaphore_mem>>
        %dma_wait3A_241 = tpu.memref_squeeze %dma_wait3A_240 : memref<1x!tpu.dma_semaphore, #tpu.memory_space<semaphore_mem>> -> memref<!tpu.dma_semaphore, #tpu.memory_space<semaphore_mem>>
        %dma_wait3A_242 = arith.constant 0 : i32
        %dma_wait3A_243 = arith.constant 0 : i32
        %dma_wait3A_244 = tpu.memref_slice %arg3[%dma_wait3A_234, %add3A_197, %dma_wait3A_242, %dma_wait3A_243] : memref<2x160x25x80xi32, #tpu.memory_space<hbm>> -> memref<1x1x25x80xi32, #tpu.memory_space<hbm>>
        %dma_wait3A_245 = tpu.memref_squeeze %dma_wait3A_244 : memref<1x1x25x80xi32, #tpu.memory_space<hbm>> -> memref<25x80xi32, #tpu.memory_space<hbm>>
        tpu.wait_dma2 semaphore(%dma_wait3A_241 : memref<!tpu.dma_semaphore, #tpu.memory_space<semaphore_mem>>) src(%dma_wait3A_245 : memref<25x80xi32, #tpu.memory_space<hbm>>) dst(%arg9 : memref<25x80xi32, #tpu.memory_space<vmem>>)
        %dma_start3A_246 = arith.constant 0 : i32
        %dma_start3A_247 = arith.constant 0 : i32
        %dma_start3A_248 = arith.constant 0 : i32
        %dma_start3A_249 = tpu.memref_slice %arg8[%dma_start3A_246, %dma_start3A_248] : memref<25x80xi32, #tpu.memory_space<vmem>> -> memref<1x80xi32, #tpu.memory_space<vmem>>
        %dma_start3A_250 = tpu.memref_squeeze %dma_start3A_249 : memref<1x80xi32, #tpu.memory_space<vmem>> -> memref<80xi32, #tpu.memory_space<vmem>>
        %dma_start3A_251 = arith.constant 0 : i32
        %dma_start3A_252 = arith.constant 0 : i32
        %dma_start3A_253 = tpu.memref_slice %arg2[%dma_start3A_251, %dma_start3A_252] : memref<10000x128xf32, #tpu.memory_space<hbm>> -> memref<10000x128xf32, #tpu.memory_space<hbm>>
        %dma_start3A_254 = tpu.memref_slice %arg16[%dma_start3A_247] : memref<3x!tpu.dma_semaphore, #tpu.memory_space<semaphore_mem>> -> memref<1x!tpu.dma_semaphore, #tpu.memory_space<semaphore_mem>>
        %dma_start3A_255 = tpu.memref_squeeze %dma_start3A_254 : memref<1x!tpu.dma_semaphore, #tpu.memory_space<semaphore_mem>> -> memref<!tpu.dma_semaphore, #tpu.memory_space<semaphore_mem>>
        tpu.enqueue_indirect_dma source(%dma_start3A_253 : memref<10000x128xf32, #tpu.memory_space<hbm>>) target(%arg10 : memref<80x128xf32, #tpu.memory_space<vmem>>) offsets(%dma_start3A_250 : memref<80xi32, #tpu.memory_space<vmem>>) semaphore(%dma_start3A_255 : memref<!tpu.dma_semaphore, #tpu.memory_space<semaphore_mem>>)
        %dma_start3A_256 = arith.constant 1 : i32
        %dma_start3A_257 = arith.constant 1 : i32
        %dma_start3A_258 = arith.constant 0 : i32
        %dma_start3A_259 = tpu.memref_slice %arg8[%dma_start3A_256, %dma_start3A_258] : memref<25x80xi32, #tpu.memory_space<vmem>> -> memref<1x80xi32, #tpu.memory_space<vmem>>
        %dma_start3A_260 = tpu.memref_squeeze %dma_start3A_259 : memref<1x80xi32, #tpu.memory_space<vmem>> -> memref<80xi32, #tpu.memory_space<vmem>>
        %dma_start3A_261 = arith.constant 0 : i32
        %dma_start3A_262 = arith.constant 0 : i32
        %dma_start3A_263 = tpu.memref_slice %arg2[%dma_start3A_261, %dma_start3A_262] : memref<10000x128xf32, #tpu.memory_space<hbm>> -> memref<10000x128xf32, #tpu.memory_space<hbm>>
        %dma_start3A_264 = tpu.memref_slice %arg16[%dma_start3A_257] : memref<3x!tpu.dma_semaphore, #tpu.memory_space<semaphore_mem>> -> memref<1x!tpu.dma_semaphore, #tpu.memory_space<semaphore_mem>>
        %dma_start3A_265 = tpu.memref_squeeze %dma_start3A_264 : memref<1x!tpu.dma_semaphore, #tpu.memory_space<semaphore_mem>> -> memref<!tpu.dma_semaphore, #tpu.memory_space<semaphore_mem>>
        tpu.enqueue_indirect_dma source(%dma_start3A_263 : memref<10000x128xf32, #tpu.memory_space<hbm>>) target(%arg11 : memref<80x128xf32, #tpu.memory_space<vmem>>) offsets(%dma_start3A_260 : memref<80xi32, #tpu.memory_space<vmem>>) semaphore(%dma_start3A_265 : memref<!tpu.dma_semaphore, #tpu.memory_space<semaphore_mem>>)
        %dma_start3A_266 = arith.constant 2 : i32
        %dma_start3A_267 = arith.constant 2 : i32
        %dma_start3A_268 = arith.constant 0 : i32
        %dma_start3A_269 = tpu.memref_slice %arg8[%dma_start3A_266, %dma_start3A_268] : memref<25x80xi32, #tpu.memory_space<vmem>> -> memref<1x80xi32, #tpu.memory_space<vmem>>
        %dma_start3A_270 = tpu.memref_squeeze %dma_start3A_269 : memref<1x80xi32, #tpu.memory_space<vmem>> -> memref<80xi32, #tpu.memory_space<vmem>>
        %dma_start3A_271 = arith.constant 0 : i32
        %dma_start3A_272 = arith.constant 0 : i32
        %dma_start3A_273 = tpu.memref_slice %arg2[%dma_start3A_271, %dma_start3A_272] : memref<10000x128xf32, #tpu.memory_space<hbm>> -> memref<10000x128xf32, #tpu.memory_space<hbm>>
        %dma_start3A_274 = tpu.memref_slice %arg16[%dma_start3A_267] : memref<3x!tpu.dma_semaphore, #tpu.memory_space<semaphore_mem>> -> memref<1x!tpu.dma_semaphore, #tpu.memory_space<semaphore_mem>>
        %dma_start3A_275 = tpu.memref_squeeze %dma_start3A_274 : memref<1x!tpu.dma_semaphore, #tpu.memory_space<semaphore_mem>> -> memref<!tpu.dma_semaphore, #tpu.memory_space<semaphore_mem>>
        tpu.enqueue_indirect_dma source(%dma_start3A_273 : memref<10000x128xf32, #tpu.memory_space<hbm>>) target(%arg12 : memref<80x128xf32, #tpu.memory_space<vmem>>) offsets(%dma_start3A_270 : memref<80xi32, #tpu.memory_space<vmem>>) semaphore(%dma_start3A_275 : memref<!tpu.dma_semaphore, #tpu.memory_space<semaphore_mem>>)
      } else {
      }
      %scan3A_160 = arith.constant 0 : i32
      %scan3A_161 = arith.constant 9 : i32
      %scan3A_162 = arith.addi %scan3A_160, %scan3A_161 : i32
      %scan3A_163 = arith.constant 1 : i32
      scf.for %scan3A_195 = %scan3A_160 to %scan3A_162 step %scan3A_163  : i32 {
        %mul3A_196 = arith.constant 3 : i32
        %mul3A_197 = arith.muli %scan3A_195, %mul3A_196 : i32
        %add3A_198 = arith.constant 0 : i32
        %add3A_199 = arith.addi %add3A_198, %mul3A_197 : i32
        %add3A_200 = arith.constant 0 : i32
        %add3A_201 = arith.addi %add3A_199, %add3A_200 : i32
        %lt3A = arith.constant 25 : i32
        %lt3A_202 = arith.cmpi slt, %add3A_201, %lt3A : i32
        %convert_element_type3A_203 = arith.extui %lt3A_202 : i1 to i32
        %cond3A_204 = arith.constant 0 : i32
        %cond3A_205 = arith.cmpi ne, %convert_element_type3A_203, %cond3A_204 : i32
        scf.if %cond3A_205 {
          %dma_wait3A_241 = arith.constant 0 : i32
          %dma_wait3A_242 = arith.constant 0 : i32
          %dma_wait3A_243 = tpu.memref_slice %arg8[%add3A_201, %dma_wait3A_242] : memref<25x80xi32, #tpu.memory_space<vmem>> -> memref<1x80xi32, #tpu.memory_space<vmem>>
          %dma_wait3A_244 = tpu.memref_squeeze %dma_wait3A_243 : memref<1x80xi32, #tpu.memory_space<vmem>> -> memref<80xi32, #tpu.memory_space<vmem>>
          %dma_wait3A_245 = arith.constant 0 : i32
          %dma_wait3A_246 = arith.constant 0 : i32
          %dma_wait3A_247 = tpu.memref_slice %arg2[%dma_wait3A_245, %dma_wait3A_246] : memref<10000x128xf32, #tpu.memory_space<hbm>> -> memref<10000x128xf32, #tpu.memory_space<hbm>>
          %dma_wait3A_248 = tpu.memref_slice %arg16[%dma_wait3A_241] : memref<3x!tpu.dma_semaphore, #tpu.memory_space<semaphore_mem>> -> memref<1x!tpu.dma_semaphore, #tpu.memory_space<semaphore_mem>>
          %dma_wait3A_249 = tpu.memref_squeeze %dma_wait3A_248 : memref<1x!tpu.dma_semaphore, #tpu.memory_space<semaphore_mem>> -> memref<!tpu.dma_semaphore, #tpu.memory_space<semaphore_mem>>
          tpu.wait_indirect_dma semaphore(%dma_wait3A_249 : memref<!tpu.dma_semaphore, #tpu.memory_space<semaphore_mem>>) src(%dma_wait3A_247 : memref<10000x128xf32, #tpu.memory_space<hbm>>) dst(%arg10 : memref<80x128xf32, #tpu.memory_space<vmem>>)
          %dma_start3A_250 = arith.constant 0 : i32
          %dma_start3A_251 = arith.constant 0 : i32
          %dma_start3A_252 = tpu.memref_slice %arg9[%add3A_201, %dma_start3A_251] : memref<25x80xi32, #tpu.memory_space<vmem>> -> memref<1x80xi32, #tpu.memory_space<vmem>>
          %dma_start3A_253 = tpu.memref_squeeze %dma_start3A_252 : memref<1x80xi32, #tpu.memory_space<vmem>> -> memref<80xi32, #tpu.memory_space<vmem>>
          %dma_start3A_254 = arith.constant 0 : i32
          %dma_start3A_255 = arith.constant 0 : i32
          %dma_start3A_256 = tpu.memref_slice %arg6[%dma_start3A_254, %dma_start3A_255] : memref<10240x128xf32, #tpu.memory_space<vmem_shared>> -> memref<10240x128xf32, #tpu.memory_space<vmem_shared>>
          %dma_start3A_257 = tpu.memref_slice %arg17[%dma_start3A_250] : memref<3x!tpu.dma_semaphore, #tpu.memory_space<semaphore_mem>> -> memref<1x!tpu.dma_semaphore, #tpu.memory_space<semaphore_mem>>
          %dma_start3A_258 = tpu.memref_squeeze %dma_start3A_257 : memref<1x!tpu.dma_semaphore, #tpu.memory_space<semaphore_mem>> -> memref<!tpu.dma_semaphore, #tpu.memory_space<semaphore_mem>>
          tpu.enqueue_indirect_dma source(%arg10 : memref<80x128xf32, #tpu.memory_space<vmem>>) target(%dma_start3A_256 : memref<10240x128xf32, #tpu.memory_space<vmem_shared>>) offsets(%dma_start3A_253 : memref<80xi32, #tpu.memory_space<vmem>>) semaphore(%dma_start3A_258 : memref<!tpu.dma_semaphore, #tpu.memory_space<semaphore_mem>>) {add = true}
          "tpu.region"() ({
            %run_scoped3A = tpu.sem_alloc : memref<!tpu.dma_semaphore, #tpu.memory_space<semaphore_mem>>
            %dma_start3A_259 = arith.constant 0 : i32
            %dma_start3A_260 = tpu.memref_slice %arg9[%add3A_201, %dma_start3A_259] : memref<25x80xi32, #tpu.memory_space<vmem>> -> memref<1x80xi32, #tpu.memory_space<vmem>>
            %dma_start3A_261 = tpu.memref_squeeze %dma_start3A_260 : memref<1x80xi32, #tpu.memory_space<vmem>> -> memref<80xi32, #tpu.memory_space<vmem>>
            %dma_start3A_262 = arith.constant 0 : i32
            %dma_start3A_263 = tpu.memref_slice %arg7[%dma_start3A_262] : memref<10240xf32, #tpu.memory_space<vmem_shared>> -> memref<10240xf32, #tpu.memory_space<vmem_shared>>
            tpu.enqueue_indirect_dma source(%arg13 : memref<80xf32, #tpu.memory_space<vmem>>) target(%dma_start3A_263 : memref<10240xf32, #tpu.memory_space<vmem_shared>>) offsets(%dma_start3A_261 : memref<80xi32, #tpu.memory_space<vmem>>) semaphore(%run_scoped3A : memref<!tpu.dma_semaphore, #tpu.memory_space<semaphore_mem>>) {add = true}
            %dma_wait3A_264 = arith.constant 0 : i32
            %dma_wait3A_265 = tpu.memref_slice %arg9[%add3A_201, %dma_wait3A_264] : memref<25x80xi32, #tpu.memory_space<vmem>> -> memref<1x80xi32, #tpu.memory_space<vmem>>
            %dma_wait3A_266 = tpu.memref_squeeze %dma_wait3A_265 : memref<1x80xi32, #tpu.memory_space<vmem>> -> memref<80xi32, #tpu.memory_space<vmem>>
            %dma_wait3A_267 = arith.constant 0 : i32
            %dma_wait3A_268 = tpu.memref_slice %arg7[%dma_wait3A_267] : memref<10240xf32, #tpu.memory_space<vmem_shared>> -> memref<10240xf32, #tpu.memory_space<vmem_shared>>
            tpu.wait_indirect_dma semaphore(%run_scoped3A : memref<!tpu.dma_semaphore, #tpu.memory_space<semaphore_mem>>) src(%arg13 : memref<80xf32, #tpu.memory_space<vmem>>) dst(%dma_wait3A_268 : memref<10240xf32, #tpu.memory_space<vmem_shared>>)
            tpu.yield
          }) : () -> ()
        } else {
        }
        %add3A_206 = arith.constant 3 : i32
        %add3A_207 = arith.addi %add3A_201, %add3A_206 : i32
        %lt3A_208 = arith.constant 25 : i32
        %lt3A_209 = arith.cmpi slt, %add3A_207, %lt3A_208 : i32
        %convert_element_type3A_210 = arith.extui %lt3A_209 : i1 to i32
        %cond3A_211 = arith.constant 0 : i32
        %cond3A_212 = arith.cmpi ne, %convert_element_type3A_210, %cond3A_211 : i32
        scf.if %cond3A_212 {
          %dma_wait3A_241 = arith.constant 0 : i32
          %dma_wait3A_242 = arith.constant 0 : i32
          %dma_wait3A_243 = tpu.memref_slice %arg9[%add3A_201, %dma_wait3A_242] : memref<25x80xi32, #tpu.memory_space<vmem>> -> memref<1x80xi32, #tpu.memory_space<vmem>>
          %dma_wait3A_244 = tpu.memref_squeeze %dma_wait3A_243 : memref<1x80xi32, #tpu.memory_space<vmem>> -> memref<80xi32, #tpu.memory_space<vmem>>
          %dma_wait3A_245 = arith.constant 0 : i32
          %dma_wait3A_246 = arith.constant 0 : i32
          %dma_wait3A_247 = tpu.memref_slice %arg6[%dma_wait3A_245, %dma_wait3A_246] : memref<10240x128xf32, #tpu.memory_space<vmem_shared>> -> memref<10240x128xf32, #tpu.memory_space<vmem_shared>>
          %dma_wait3A_248 = tpu.memref_slice %arg17[%dma_wait3A_241] : memref<3x!tpu.dma_semaphore, #tpu.memory_space<semaphore_mem>> -> memref<1x!tpu.dma_semaphore, #tpu.memory_space<semaphore_mem>>
          %dma_wait3A_249 = tpu.memref_squeeze %dma_wait3A_248 : memref<1x!tpu.dma_semaphore, #tpu.memory_space<semaphore_mem>> -> memref<!tpu.dma_semaphore, #tpu.memory_space<semaphore_mem>>
          tpu.wait_indirect_dma semaphore(%dma_wait3A_249 : memref<!tpu.dma_semaphore, #tpu.memory_space<semaphore_mem>>) src(%arg10 : memref<80x128xf32, #tpu.memory_space<vmem>>) dst(%dma_wait3A_247 : memref<10240x128xf32, #tpu.memory_space<vmem_shared>>)
          %add3A_250 = arith.constant 3 : i32
          %add3A_251 = arith.addi %add3A_201, %add3A_250 : i32
          %dma_start3A_252 = arith.constant 0 : i32
          %dma_start3A_253 = arith.constant 0 : i32
          %dma_start3A_254 = tpu.memref_slice %arg8[%add3A_251, %dma_start3A_253] : memref<25x80xi32, #tpu.memory_space<vmem>> -> memref<1x80xi32, #tpu.memory_space<vmem>>
          %dma_start3A_255 = tpu.memref_squeeze %dma_start3A_254 : memref<1x80xi32, #tpu.memory_space<vmem>> -> memref<80xi32, #tpu.memory_space<vmem>>
          %dma_start3A_256 = arith.constant 0 : i32
          %dma_start3A_257 = arith.constant 0 : i32
          %dma_start3A_258 = tpu.memref_slice %arg2[%dma_start3A_256, %dma_start3A_257] : memref<10000x128xf32, #tpu.memory_space<hbm>> -> memref<10000x128xf32, #tpu.memory_space<hbm>>
          %dma_start3A_259 = tpu.memref_slice %arg16[%dma_start3A_252] : memref<3x!tpu.dma_semaphore, #tpu.memory_space<semaphore_mem>> -> memref<1x!tpu.dma_semaphore, #tpu.memory_space<semaphore_mem>>
          %dma_start3A_260 = tpu.memref_squeeze %dma_start3A_259 : memref<1x!tpu.dma_semaphore, #tpu.memory_space<semaphore_mem>> -> memref<!tpu.dma_semaphore, #tpu.memory_space<semaphore_mem>>
          tpu.enqueue_indirect_dma source(%dma_start3A_258 : memref<10000x128xf32, #tpu.memory_space<hbm>>) target(%arg10 : memref<80x128xf32, #tpu.memory_space<vmem>>) offsets(%dma_start3A_255 : memref<80xi32, #tpu.memory_space<vmem>>) semaphore(%dma_start3A_260 : memref<!tpu.dma_semaphore, #tpu.memory_space<semaphore_mem>>)
        } else {
        }
        %add3A_213 = arith.constant 1 : i32
        %add3A_214 = arith.addi %add3A_199, %add3A_213 : i32
        %lt3A_215 = arith.constant 25 : i32
        %lt3A_216 = arith.cmpi slt, %add3A_214, %lt3A_215 : i32
        %convert_element_type3A_217 = arith.extui %lt3A_216 : i1 to i32
        %cond3A_218 = arith.constant 0 : i32
        %cond3A_219 = arith.cmpi ne, %convert_element_type3A_217, %cond3A_218 : i32
        scf.if %cond3A_219 {
          %dma_wait3A_241 = arith.constant 1 : i32
          %dma_wait3A_242 = arith.constant 0 : i32
          %dma_wait3A_243 = tpu.memref_slice %arg8[%add3A_214, %dma_wait3A_242] : memref<25x80xi32, #tpu.memory_space<vmem>> -> memref<1x80xi32, #tpu.memory_space<vmem>>
          %dma_wait3A_244 = tpu.memref_squeeze %dma_wait3A_243 : memref<1x80xi32, #tpu.memory_space<vmem>> -> memref<80xi32, #tpu.memory_space<vmem>>
          %dma_wait3A_245 = arith.constant 0 : i32
          %dma_wait3A_246 = arith.constant 0 : i32
          %dma_wait3A_247 = tpu.memref_slice %arg2[%dma_wait3A_245, %dma_wait3A_246] : memref<10000x128xf32, #tpu.memory_space<hbm>> -> memref<10000x128xf32, #tpu.memory_space<hbm>>
          %dma_wait3A_248 = tpu.memref_slice %arg16[%dma_wait3A_241] : memref<3x!tpu.dma_semaphore, #tpu.memory_space<semaphore_mem>> -> memref<1x!tpu.dma_semaphore, #tpu.memory_space<semaphore_mem>>
          %dma_wait3A_249 = tpu.memref_squeeze %dma_wait3A_248 : memref<1x!tpu.dma_semaphore, #tpu.memory_space<semaphore_mem>> -> memref<!tpu.dma_semaphore, #tpu.memory_space<semaphore_mem>>
          tpu.wait_indirect_dma semaphore(%dma_wait3A_249 : memref<!tpu.dma_semaphore, #tpu.memory_space<semaphore_mem>>) src(%dma_wait3A_247 : memref<10000x128xf32, #tpu.memory_space<hbm>>) dst(%arg11 : memref<80x128xf32, #tpu.memory_space<vmem>>)
          %dma_start3A_250 = arith.constant 1 : i32
          %dma_start3A_251 = arith.constant 0 : i32
          %dma_start3A_252 = tpu.memref_slice %arg9[%add3A_214, %dma_start3A_251] : memref<25x80xi32, #tpu.memory_space<vmem>> -> memref<1x80xi32, #tpu.memory_space<vmem>>
          %dma_start3A_253 = tpu.memref_squeeze %dma_start3A_252 : memref<1x80xi32, #tpu.memory_space<vmem>> -> memref<80xi32, #tpu.memory_space<vmem>>
          %dma_start3A_254 = arith.constant 0 : i32
          %dma_start3A_255 = arith.constant 0 : i32
          %dma_start3A_256 = tpu.memref_slice %arg6[%dma_start3A_254, %dma_start3A_255] : memref<10240x128xf32, #tpu.memory_space<vmem_shared>> -> memref<10240x128xf32, #tpu.memory_space<vmem_shared>>
          %dma_start3A_257 = tpu.memref_slice %arg17[%dma_start3A_250] : memref<3x!tpu.dma_semaphore, #tpu.memory_space<semaphore_mem>> -> memref<1x!tpu.dma_semaphore, #tpu.memory_space<semaphore_mem>>
          %dma_start3A_258 = tpu.memref_squeeze %dma_start3A_257 : memref<1x!tpu.dma_semaphore, #tpu.memory_space<semaphore_mem>> -> memref<!tpu.dma_semaphore, #tpu.memory_space<semaphore_mem>>
          tpu.enqueue_indirect_dma source(%arg11 : memref<80x128xf32, #tpu.memory_space<vmem>>) target(%dma_start3A_256 : memref<10240x128xf32, #tpu.memory_space<vmem_shared>>) offsets(%dma_start3A_253 : memref<80xi32, #tpu.memory_space<vmem>>) semaphore(%dma_start3A_258 : memref<!tpu.dma_semaphore, #tpu.memory_space<semaphore_mem>>) {add = true}
          "tpu.region"() ({
            %run_scoped3A = tpu.sem_alloc : memref<!tpu.dma_semaphore, #tpu.memory_space<semaphore_mem>>
            %dma_start3A_259 = arith.constant 0 : i32
            %dma_start3A_260 = tpu.memref_slice %arg9[%add3A_214, %dma_start3A_259] : memref<25x80xi32, #tpu.memory_space<vmem>> -> memref<1x80xi32, #tpu.memory_space<vmem>>
            %dma_start3A_261 = tpu.memref_squeeze %dma_start3A_260 : memref<1x80xi32, #tpu.memory_space<vmem>> -> memref<80xi32, #tpu.memory_space<vmem>>
            %dma_start3A_262 = arith.constant 0 : i32
            %dma_start3A_263 = tpu.memref_slice %arg7[%dma_start3A_262] : memref<10240xf32, #tpu.memory_space<vmem_shared>> -> memref<10240xf32, #tpu.memory_space<vmem_shared>>
            tpu.enqueue_indirect_dma source(%arg13 : memref<80xf32, #tpu.memory_space<vmem>>) target(%dma_start3A_263 : memref<10240xf32, #tpu.memory_space<vmem_shared>>) offsets(%dma_start3A_261 : memref<80xi32, #tpu.memory_space<vmem>>) semaphore(%run_scoped3A : memref<!tpu.dma_semaphore, #tpu.memory_space<semaphore_mem>>) {add = true}
            %dma_wait3A_264 = arith.constant 0 : i32
            %dma_wait3A_265 = tpu.memref_slice %arg9[%add3A_214, %dma_wait3A_264] : memref<25x80xi32, #tpu.memory_space<vmem>> -> memref<1x80xi32, #tpu.memory_space<vmem>>
            %dma_wait3A_266 = tpu.memref_squeeze %dma_wait3A_265 : memref<1x80xi32, #tpu.memory_space<vmem>> -> memref<80xi32, #tpu.memory_space<vmem>>
            %dma_wait3A_267 = arith.constant 0 : i32
            %dma_wait3A_268 = tpu.memref_slice %arg7[%dma_wait3A_267] : memref<10240xf32, #tpu.memory_space<vmem_shared>> -> memref<10240xf32, #tpu.memory_space<vmem_shared>>
            tpu.wait_indirect_dma semaphore(%run_scoped3A : memref<!tpu.dma_semaphore, #tpu.memory_space<semaphore_mem>>) src(%arg13 : memref<80xf32, #tpu.memory_space<vmem>>) dst(%dma_wait3A_268 : memref<10240xf32, #tpu.memory_space<vmem_shared>>)
            tpu.yield
          }) : () -> ()
        } else {
        }
        %add3A_220 = arith.constant 3 : i32
        %add3A_221 = arith.addi %add3A_214, %add3A_220 : i32
        %lt3A_222 = arith.constant 25 : i32
        %lt3A_223 = arith.cmpi slt, %add3A_221, %lt3A_222 : i32
        %convert_element_type3A_224 = arith.extui %lt3A_223 : i1 to i32
        %cond3A_225 = arith.constant 0 : i32
        %cond3A_226 = arith.cmpi ne, %convert_element_type3A_224, %cond3A_225 : i32
        scf.if %cond3A_226 {
          %dma_wait3A_241 = arith.constant 1 : i32
          %dma_wait3A_242 = arith.constant 0 : i32
          %dma_wait3A_243 = tpu.memref_slice %arg9[%add3A_214, %dma_wait3A_242] : memref<25x80xi32, #tpu.memory_space<vmem>> -> memref<1x80xi32, #tpu.memory_space<vmem>>
          %dma_wait3A_244 = tpu.memref_squeeze %dma_wait3A_243 : memref<1x80xi32, #tpu.memory_space<vmem>> -> memref<80xi32, #tpu.memory_space<vmem>>
          %dma_wait3A_245 = arith.constant 0 : i32
          %dma_wait3A_246 = arith.constant 0 : i32
          %dma_wait3A_247 = tpu.memref_slice %arg6[%dma_wait3A_245, %dma_wait3A_246] : memref<10240x128xf32, #tpu.memory_space<vmem_shared>> -> memref<10240x128xf32, #tpu.memory_space<vmem_shared>>
          %dma_wait3A_248 = tpu.memref_slice %arg17[%dma_wait3A_241] : memref<3x!tpu.dma_semaphore, #tpu.memory_space<semaphore_mem>> -> memref<1x!tpu.dma_semaphore, #tpu.memory_space<semaphore_mem>>
          %dma_wait3A_249 = tpu.memref_squeeze %dma_wait3A_248 : memref<1x!tpu.dma_semaphore, #tpu.memory_space<semaphore_mem>> -> memref<!tpu.dma_semaphore, #tpu.memory_space<semaphore_mem>>
          tpu.wait_indirect_dma semaphore(%dma_wait3A_249 : memref<!tpu.dma_semaphore, #tpu.memory_space<semaphore_mem>>) src(%arg11 : memref<80x128xf32, #tpu.memory_space<vmem>>) dst(%dma_wait3A_247 : memref<10240x128xf32, #tpu.memory_space<vmem_shared>>)
          %add3A_250 = arith.constant 3 : i32
          %add3A_251 = arith.addi %add3A_214, %add3A_250 : i32
          %dma_start3A_252 = arith.constant 1 : i32
          %dma_start3A_253 = arith.constant 0 : i32
          %dma_start3A_254 = tpu.memref_slice %arg8[%add3A_251, %dma_start3A_253] : memref<25x80xi32, #tpu.memory_space<vmem>> -> memref<1x80xi32, #tpu.memory_space<vmem>>
          %dma_start3A_255 = tpu.memref_squeeze %dma_start3A_254 : memref<1x80xi32, #tpu.memory_space<vmem>> -> memref<80xi32, #tpu.memory_space<vmem>>
          %dma_start3A_256 = arith.constant 0 : i32
          %dma_start3A_257 = arith.constant 0 : i32
          %dma_start3A_258 = tpu.memref_slice %arg2[%dma_start3A_256, %dma_start3A_257] : memref<10000x128xf32, #tpu.memory_space<hbm>> -> memref<10000x128xf32, #tpu.memory_space<hbm>>
          %dma_start3A_259 = tpu.memref_slice %arg16[%dma_start3A_252] : memref<3x!tpu.dma_semaphore, #tpu.memory_space<semaphore_mem>> -> memref<1x!tpu.dma_semaphore, #tpu.memory_space<semaphore_mem>>
          %dma_start3A_260 = tpu.memref_squeeze %dma_start3A_259 : memref<1x!tpu.dma_semaphore, #tpu.memory_space<semaphore_mem>> -> memref<!tpu.dma_semaphore, #tpu.memory_space<semaphore_mem>>
          tpu.enqueue_indirect_dma source(%dma_start3A_258 : memref<10000x128xf32, #tpu.memory_space<hbm>>) target(%arg11 : memref<80x128xf32, #tpu.memory_space<vmem>>) offsets(%dma_start3A_255 : memref<80xi32, #tpu.memory_space<vmem>>) semaphore(%dma_start3A_260 : memref<!tpu.dma_semaphore, #tpu.memory_space<semaphore_mem>>)
        } else {
        }
        %add3A_227 = arith.constant 2 : i32
        %add3A_228 = arith.addi %add3A_199, %add3A_227 : i32
        %lt3A_229 = arith.constant 25 : i32
        %lt3A_230 = arith.cmpi slt, %add3A_228, %lt3A_229 : i32
        %convert_element_type3A_231 = arith.extui %lt3A_230 : i1 to i32
        %cond3A_232 = arith.constant 0 : i32
        %cond3A_233 = arith.cmpi ne, %convert_element_type3A_231, %cond3A_232 : i32
        scf.if %cond3A_233 {
          %dma_wait3A_241 = arith.constant 2 : i32
          %dma_wait3A_242 = arith.constant 0 : i32
          %dma_wait3A_243 = tpu.memref_slice %arg8[%add3A_228, %dma_wait3A_242] : memref<25x80xi32, #tpu.memory_space<vmem>> -> memref<1x80xi32, #tpu.memory_space<vmem>>
          %dma_wait3A_244 = tpu.memref_squeeze %dma_wait3A_243 : memref<1x80xi32, #tpu.memory_space<vmem>> -> memref<80xi32, #tpu.memory_space<vmem>>
          %dma_wait3A_245 = arith.constant 0 : i32
          %dma_wait3A_246 = arith.constant 0 : i32
          %dma_wait3A_247 = tpu.memref_slice %arg2[%dma_wait3A_245, %dma_wait3A_246] : memref<10000x128xf32, #tpu.memory_space<hbm>> -> memref<10000x128xf32, #tpu.memory_space<hbm>>
          %dma_wait3A_248 = tpu.memref_slice %arg16[%dma_wait3A_241] : memref<3x!tpu.dma_semaphore, #tpu.memory_space<semaphore_mem>> -> memref<1x!tpu.dma_semaphore, #tpu.memory_space<semaphore_mem>>
          %dma_wait3A_249 = tpu.memref_squeeze %dma_wait3A_248 : memref<1x!tpu.dma_semaphore, #tpu.memory_space<semaphore_mem>> -> memref<!tpu.dma_semaphore, #tpu.memory_space<semaphore_mem>>
          tpu.wait_indirect_dma semaphore(%dma_wait3A_249 : memref<!tpu.dma_semaphore, #tpu.memory_space<semaphore_mem>>) src(%dma_wait3A_247 : memref<10000x128xf32, #tpu.memory_space<hbm>>) dst(%arg12 : memref<80x128xf32, #tpu.memory_space<vmem>>)
          %dma_start3A_250 = arith.constant 2 : i32
          %dma_start3A_251 = arith.constant 0 : i32
          %dma_start3A_252 = tpu.memref_slice %arg9[%add3A_228, %dma_start3A_251] : memref<25x80xi32, #tpu.memory_space<vmem>> -> memref<1x80xi32, #tpu.memory_space<vmem>>
          %dma_start3A_253 = tpu.memref_squeeze %dma_start3A_252 : memref<1x80xi32, #tpu.memory_space<vmem>> -> memref<80xi32, #tpu.memory_space<vmem>>
          %dma_start3A_254 = arith.constant 0 : i32
          %dma_start3A_255 = arith.constant 0 : i32
          %dma_start3A_256 = tpu.memref_slice %arg6[%dma_start3A_254, %dma_start3A_255] : memref<10240x128xf32, #tpu.memory_space<vmem_shared>> -> memref<10240x128xf32, #tpu.memory_space<vmem_shared>>
          %dma_start3A_257 = tpu.memref_slice %arg17[%dma_start3A_250] : memref<3x!tpu.dma_semaphore, #tpu.memory_space<semaphore_mem>> -> memref<1x!tpu.dma_semaphore, #tpu.memory_space<semaphore_mem>>
          %dma_start3A_258 = tpu.memref_squeeze %dma_start3A_257 : memref<1x!tpu.dma_semaphore, #tpu.memory_space<semaphore_mem>> -> memref<!tpu.dma_semaphore, #tpu.memory_space<semaphore_mem>>
          tpu.enqueue_indirect_dma source(%arg12 : memref<80x128xf32, #tpu.memory_space<vmem>>) target(%dma_start3A_256 : memref<10240x128xf32, #tpu.memory_space<vmem_shared>>) offsets(%dma_start3A_253 : memref<80xi32, #tpu.memory_space<vmem>>) semaphore(%dma_start3A_258 : memref<!tpu.dma_semaphore, #tpu.memory_space<semaphore_mem>>) {add = true}
          "tpu.region"() ({
            %run_scoped3A = tpu.sem_alloc : memref<!tpu.dma_semaphore, #tpu.memory_space<semaphore_mem>>
            %dma_start3A_259 = arith.constant 0 : i32
            %dma_start3A_260 = tpu.memref_slice %arg9[%add3A_228, %dma_start3A_259] : memref<25x80xi32, #tpu.memory_space<vmem>> -> memref<1x80xi32, #tpu.memory_space<vmem>>
            %dma_start3A_261 = tpu.memref_squeeze %dma_start3A_260 : memref<1x80xi32, #tpu.memory_space<vmem>> -> memref<80xi32, #tpu.memory_space<vmem>>
            %dma_start3A_262 = arith.constant 0 : i32
            %dma_start3A_263 = tpu.memref_slice %arg7[%dma_start3A_262] : memref<10240xf32, #tpu.memory_space<vmem_shared>> -> memref<10240xf32, #tpu.memory_space<vmem_shared>>
            tpu.enqueue_indirect_dma source(%arg13 : memref<80xf32, #tpu.memory_space<vmem>>) target(%dma_start3A_263 : memref<10240xf32, #tpu.memory_space<vmem_shared>>) offsets(%dma_start3A_261 : memref<80xi32, #tpu.memory_space<vmem>>) semaphore(%run_scoped3A : memref<!tpu.dma_semaphore, #tpu.memory_space<semaphore_mem>>) {add = true}
            %dma_wait3A_264 = arith.constant 0 : i32
            %dma_wait3A_265 = tpu.memref_slice %arg9[%add3A_228, %dma_wait3A_264] : memref<25x80xi32, #tpu.memory_space<vmem>> -> memref<1x80xi32, #tpu.memory_space<vmem>>
            %dma_wait3A_266 = tpu.memref_squeeze %dma_wait3A_265 : memref<1x80xi32, #tpu.memory_space<vmem>> -> memref<80xi32, #tpu.memory_space<vmem>>
            %dma_wait3A_267 = arith.constant 0 : i32
            %dma_wait3A_268 = tpu.memref_slice %arg7[%dma_wait3A_267] : memref<10240xf32, #tpu.memory_space<vmem_shared>> -> memref<10240xf32, #tpu.memory_space<vmem_shared>>
            tpu.wait_indirect_dma semaphore(%run_scoped3A : memref<!tpu.dma_semaphore, #tpu.memory_space<semaphore_mem>>) src(%arg13 : memref<80xf32, #tpu.memory_space<vmem>>) dst(%dma_wait3A_268 : memref<10240xf32, #tpu.memory_space<vmem_shared>>)
            tpu.yield
          }) : () -> ()
        } else {
        }
        %add3A_234 = arith.constant 3 : i32
        %add3A_235 = arith.addi %add3A_228, %add3A_234 : i32
        %lt3A_236 = arith.constant 25 : i32
        %lt3A_237 = arith.cmpi slt, %add3A_235, %lt3A_236 : i32
        %convert_element_type3A_238 = arith.extui %lt3A_237 : i1 to i32
        %cond3A_239 = arith.constant 0 : i32
        %cond3A_240 = arith.cmpi ne, %convert_element_type3A_238, %cond3A_239 : i32
        scf.if %cond3A_240 {
          %dma_wait3A_241 = arith.constant 2 : i32
          %dma_wait3A_242 = arith.constant 0 : i32
          %dma_wait3A_243 = tpu.memref_slice %arg9[%add3A_228, %dma_wait3A_242] : memref<25x80xi32, #tpu.memory_space<vmem>> -> memref<1x80xi32, #tpu.memory_space<vmem>>
          %dma_wait3A_244 = tpu.memref_squeeze %dma_wait3A_243 : memref<1x80xi32, #tpu.memory_space<vmem>> -> memref<80xi32, #tpu.memory_space<vmem>>
          %dma_wait3A_245 = arith.constant 0 : i32
          %dma_wait3A_246 = arith.constant 0 : i32
          %dma_wait3A_247 = tpu.memref_slice %arg6[%dma_wait3A_245, %dma_wait3A_246] : memref<10240x128xf32, #tpu.memory_space<vmem_shared>> -> memref<10240x128xf32, #tpu.memory_space<vmem_shared>>
          %dma_wait3A_248 = tpu.memref_slice %arg17[%dma_wait3A_241] : memref<3x!tpu.dma_semaphore, #tpu.memory_space<semaphore_mem>> -> memref<1x!tpu.dma_semaphore, #tpu.memory_space<semaphore_mem>>
          %dma_wait3A_249 = tpu.memref_squeeze %dma_wait3A_248 : memref<1x!tpu.dma_semaphore, #tpu.memory_space<semaphore_mem>> -> memref<!tpu.dma_semaphore, #tpu.memory_space<semaphore_mem>>
          tpu.wait_indirect_dma semaphore(%dma_wait3A_249 : memref<!tpu.dma_semaphore, #tpu.memory_space<semaphore_mem>>) src(%arg12 : memref<80x128xf32, #tpu.memory_space<vmem>>) dst(%dma_wait3A_247 : memref<10240x128xf32, #tpu.memory_space<vmem_shared>>)
          %add3A_250 = arith.constant 3 : i32
          %add3A_251 = arith.addi %add3A_228, %add3A_250 : i32
          %dma_start3A_252 = arith.constant 2 : i32
          %dma_start3A_253 = arith.constant 0 : i32
          %dma_start3A_254 = tpu.memref_slice %arg8[%add3A_251, %dma_start3A_253] : memref<25x80xi32, #tpu.memory_space<vmem>> -> memref<1x80xi32, #tpu.memory_space<vmem>>
          %dma_start3A_255 = tpu.memref_squeeze %dma_start3A_254 : memref<1x80xi32, #tpu.memory_space<vmem>> -> memref<80xi32, #tpu.memory_space<vmem>>
          %dma_start3A_256 = arith.constant 0 : i32
          %dma_start3A_257 = arith.constant 0 : i32
          %dma_start3A_258 = tpu.memref_slice %arg2[%dma_start3A_256, %dma_start3A_257] : memref<10000x128xf32, #tpu.memory_space<hbm>> -> memref<10000x128xf32, #tpu.memory_space<hbm>>
          %dma_start3A_259 = tpu.memref_slice %arg16[%dma_start3A_252] : memref<3x!tpu.dma_semaphore, #tpu.memory_space<semaphore_mem>> -> memref<1x!tpu.dma_semaphore, #tpu.memory_space<semaphore_mem>>
          %dma_start3A_260 = tpu.memref_squeeze %dma_start3A_259 : memref<1x!tpu.dma_semaphore, #tpu.memory_space<semaphore_mem>> -> memref<!tpu.dma_semaphore, #tpu.memory_space<semaphore_mem>>
          tpu.enqueue_indirect_dma source(%dma_start3A_258 : memref<10000x128xf32, #tpu.memory_space<hbm>>) target(%arg12 : memref<80x128xf32, #tpu.memory_space<vmem>>) offsets(%dma_start3A_255 : memref<80xi32, #tpu.memory_space<vmem>>) semaphore(%dma_start3A_260 : memref<!tpu.dma_semaphore, #tpu.memory_space<semaphore_mem>>)
        } else {
        }
      }
      %scan3A_164 = arith.constant 9 : i32
      %dma_wait3A_165 = arith.constant 0 : i32
      %dma_wait3A_166 = arith.constant 0 : i32
      %dma_wait3A_167 = arith.constant 0 : i32
      %dma_wait3A_168 = tpu.memref_slice %arg9[%dma_wait3A_165, %dma_wait3A_167] : memref<25x80xi32, #tpu.memory_space<vmem>> -> memref<1x80xi32, #tpu.memory_space<vmem>>
      %dma_wait3A_169 = tpu.memref_squeeze %dma_wait3A_168 : memref<1x80xi32, #tpu.memory_space<vmem>> -> memref<80xi32, #tpu.memory_space<vmem>>
      %dma_wait3A_170 = arith.constant 0 : i32
      %dma_wait3A_171 = arith.constant 0 : i32
      %dma_wait3A_172 = tpu.memref_slice %arg6[%dma_wait3A_170, %dma_wait3A_171] : memref<10240x128xf32, #tpu.memory_space<vmem_shared>> -> memref<10240x128xf32, #tpu.memory_space<vmem_shared>>
      %dma_wait3A_173 = tpu.memref_slice %arg17[%dma_wait3A_166] : memref<3x!tpu.dma_semaphore, #tpu.memory_space<semaphore_mem>> -> memref<1x!tpu.dma_semaphore, #tpu.memory_space<semaphore_mem>>
      %dma_wait3A_174 = tpu.memref_squeeze %dma_wait3A_173 : memref<1x!tpu.dma_semaphore, #tpu.memory_space<semaphore_mem>> -> memref<!tpu.dma_semaphore, #tpu.memory_space<semaphore_mem>>
      tpu.wait_indirect_dma semaphore(%dma_wait3A_174 : memref<!tpu.dma_semaphore, #tpu.memory_space<semaphore_mem>>) src(%arg10 : memref<80x128xf32, #tpu.memory_space<vmem>>) dst(%dma_wait3A_172 : memref<10240x128xf32, #tpu.memory_space<vmem_shared>>)
      %dma_wait3A_175 = arith.constant 0 : i32
      %dma_wait3A_176 = arith.constant 1 : i32
      %dma_wait3A_177 = arith.constant 0 : i32
      %dma_wait3A_178 = tpu.memref_slice %arg9[%dma_wait3A_175, %dma_wait3A_177] : memref<25x80xi32, #tpu.memory_space<vmem>> -> memref<1x80xi32, #tpu.memory_space<vmem>>
      %dma_wait3A_179 = tpu.memref_squeeze %dma_wait3A_178 : memref<1x80xi32, #tpu.memory_space<vmem>> -> memref<80xi32, #tpu.memory_space<vmem>>
      %dma_wait3A_180 = arith.constant 0 : i32
      %dma_wait3A_181 = arith.constant 0 : i32
      %dma_wait3A_182 = tpu.memref_slice %arg6[%dma_wait3A_180, %dma_wait3A_181] : memref<10240x128xf32, #tpu.memory_space<vmem_shared>> -> memref<10240x128xf32, #tpu.memory_space<vmem_shared>>
      %dma_wait3A_183 = tpu.memref_slice %arg17[%dma_wait3A_176] : memref<3x!tpu.dma_semaphore, #tpu.memory_space<semaphore_mem>> -> memref<1x!tpu.dma_semaphore, #tpu.memory_space<semaphore_mem>>
      %dma_wait3A_184 = tpu.memref_squeeze %dma_wait3A_183 : memref<1x!tpu.dma_semaphore, #tpu.memory_space<semaphore_mem>> -> memref<!tpu.dma_semaphore, #tpu.memory_space<semaphore_mem>>
      tpu.wait_indirect_dma semaphore(%dma_wait3A_184 : memref<!tpu.dma_semaphore, #tpu.memory_space<semaphore_mem>>) src(%arg11 : memref<80x128xf32, #tpu.memory_space<vmem>>) dst(%dma_wait3A_182 : memref<10240x128xf32, #tpu.memory_space<vmem_shared>>)
      %dma_wait3A_185 = arith.constant 0 : i32
      %dma_wait3A_186 = arith.constant 2 : i32
      %dma_wait3A_187 = arith.constant 0 : i32
      %dma_wait3A_188 = tpu.memref_slice %arg9[%dma_wait3A_185, %dma_wait3A_187] : memref<25x80xi32, #tpu.memory_space<vmem>> -> memref<1x80xi32, #tpu.memory_space<vmem>>
      %dma_wait3A_189 = tpu.memref_squeeze %dma_wait3A_188 : memref<1x80xi32, #tpu.memory_space<vmem>> -> memref<80xi32, #tpu.memory_space<vmem>>
      %dma_wait3A_190 = arith.constant 0 : i32
      %dma_wait3A_191 = arith.constant 0 : i32
      %dma_wait3A_192 = tpu.memref_slice %arg6[%dma_wait3A_190, %dma_wait3A_191] : memref<10240x128xf32, #tpu.memory_space<vmem_shared>> -> memref<10240x128xf32, #tpu.memory_space<vmem_shared>>
      %dma_wait3A_193 = tpu.memref_slice %arg17[%dma_wait3A_186] : memref<3x!tpu.dma_semaphore, #tpu.memory_space<semaphore_mem>> -> memref<1x!tpu.dma_semaphore, #tpu.memory_space<semaphore_mem>>
      %dma_wait3A_194 = tpu.memref_squeeze %dma_wait3A_193 : memref<1x!tpu.dma_semaphore, #tpu.memory_space<semaphore_mem>> -> memref<!tpu.dma_semaphore, #tpu.memory_space<semaphore_mem>>
      tpu.wait_indirect_dma semaphore(%dma_wait3A_194 : memref<!tpu.dma_semaphore, #tpu.memory_space<semaphore_mem>>) src(%arg12 : memref<80x128xf32, #tpu.memory_space<vmem>>) dst(%dma_wait3A_192 : memref<10240x128xf32, #tpu.memory_space<vmem_shared>>)
    }
    %scan3A_121 = arith.constant 5 : i32
    %barrier3A_122 = arith.constant 0 : index
    tpu.barrier barrier_id(%barrier3A_122)
    %mul3A_123 = arith.constant 640 : i32
    %mul3A_124 = arith.muli %arg1, %mul3A_123 : i32
    %dma_start3A_125 = arith.constant 0 : i32
    %dma_start3A_126 = tpu.memref_slice %arg16[%dma_start3A_125] : memref<3x!tpu.dma_semaphore, #tpu.memory_space<semaphore_mem>> -> memref<1x!tpu.dma_semaphore, #tpu.memory_space<semaphore_mem>>
    %dma_start3A_127 = tpu.memref_squeeze %dma_start3A_126 : memref<1x!tpu.dma_semaphore, #tpu.memory_space<semaphore_mem>> -> memref<!tpu.dma_semaphore, #tpu.memory_space<semaphore_mem>>
    %dma_start3A_128 = arith.constant 0 : i32
    %dma_start3A_129 = tpu.memref_slice %arg4[%arg0, %mul3A_124, %dma_start3A_128] : memref<2x10240x128xf32, #tpu.memory_space<hbm>> -> memref<1x640x128xf32, #tpu.memory_space<hbm>>
    %dma_start3A_130 = tpu.memref_squeeze %dma_start3A_129 : memref<1x640x128xf32, #tpu.memory_space<hbm>> -> memref<640x128xf32, #tpu.memory_space<hbm>>
    %dma_start3A_131 = arith.constant 0 : i32
    %dma_start3A_132 = tpu.memref_slice %arg6[%mul3A_124, %dma_start3A_131] : memref<10240x128xf32, #tpu.memory_space<vmem_shared>> -> memref<640x128xf32, #tpu.memory_space<vmem_shared>>
    tpu.enqueue_dma source(%dma_start3A_132 : memref<640x128xf32, #tpu.memory_space<vmem_shared>>) target(%dma_start3A_130 : memref<640x128xf32, #tpu.memory_space<hbm>>) target_semaphore(%dma_start3A_127 : memref<!tpu.dma_semaphore, #tpu.memory_space<semaphore_mem>>)
    %dma_start3A_133 = arith.constant 1 : i32
    %dma_start3A_134 = tpu.memref_slice %arg16[%dma_start3A_133] : memref<3x!tpu.dma_semaphore, #tpu.memory_space<semaphore_mem>> -> memref<1x!tpu.dma_semaphore, #tpu.memory_space<semaphore_mem>>
    %dma_start3A_135 = tpu.memref_squeeze %dma_start3A_134 : memref<1x!tpu.dma_semaphore, #tpu.memory_space<semaphore_mem>> -> memref<!tpu.dma_semaphore, #tpu.memory_space<semaphore_mem>>
    %dma_start3A_136 = tpu.memref_slice %arg5[%arg0, %mul3A_124] : memref<2x10240xf32, #tpu.memory_space<hbm>> -> memref<1x640xf32, #tpu.memory_space<hbm>>
    %dma_start3A_137 = tpu.memref_squeeze %dma_start3A_136 : memref<1x640xf32, #tpu.memory_space<hbm>> -> memref<640xf32, #tpu.memory_space<hbm>>
    %dma_start3A_138 = tpu.memref_slice %arg7[%mul3A_124] : memref<10240xf32, #tpu.memory_space<vmem_shared>> -> memref<640xf32, #tpu.memory_space<vmem_shared>>
    tpu.enqueue_dma source(%dma_start3A_138 : memref<640xf32, #tpu.memory_space<vmem_shared>>) target(%dma_start3A_137 : memref<640xf32, #tpu.memory_space<hbm>>) target_semaphore(%dma_start3A_135 : memref<!tpu.dma_semaphore, #tpu.memory_space<semaphore_mem>>)
    %dma_wait3A_139 = arith.constant 0 : i32
    %dma_wait3A_140 = tpu.memref_slice %arg16[%dma_wait3A_139] : memref<3x!tpu.dma_semaphore, #tpu.memory_space<semaphore_mem>> -> memref<1x!tpu.dma_semaphore, #tpu.memory_space<semaphore_mem>>
    %dma_wait3A_141 = tpu.memref_squeeze %dma_wait3A_140 : memref<1x!tpu.dma_semaphore, #tpu.memory_space<semaphore_mem>> -> memref<!tpu.dma_semaphore, #tpu.memory_space<semaphore_mem>>
    %dma_wait3A_142 = arith.constant 0 : i32
    %dma_wait3A_143 = tpu.memref_slice %arg4[%arg0, %mul3A_124, %dma_wait3A_142] : memref<2x10240x128xf32, #tpu.memory_space<hbm>> -> memref<1x640x128xf32, #tpu.memory_space<hbm>>
    %dma_wait3A_144 = tpu.memref_squeeze %dma_wait3A_143 : memref<1x640x128xf32, #tpu.memory_space<hbm>> -> memref<640x128xf32, #tpu.memory_space<hbm>>
    %dma_wait3A_145 = arith.constant 0 : i32
    %dma_wait3A_146 = tpu.memref_slice %arg6[%mul3A_124, %dma_wait3A_145] : memref<10240x128xf32, #tpu.memory_space<vmem_shared>> -> memref<640x128xf32, #tpu.memory_space<vmem_shared>>
    tpu.wait_dma2 semaphore(%dma_wait3A_141 : memref<!tpu.dma_semaphore, #tpu.memory_space<semaphore_mem>>) src(%dma_wait3A_146 : memref<640x128xf32, #tpu.memory_space<vmem_shared>>) dst(%dma_wait3A_144 : memref<640x128xf32, #tpu.memory_space<hbm>>)
    %dma_wait3A_147 = arith.constant 1 : i32
    %dma_wait3A_148 = tpu.memref_slice %arg16[%dma_wait3A_147] : memref<3x!tpu.dma_semaphore, #tpu.memory_space<semaphore_mem>> -> memref<1x!tpu.dma_semaphore, #tpu.memory_space<semaphore_mem>>
    %dma_wait3A_149 = tpu.memref_squeeze %dma_wait3A_148 : memref<1x!tpu.dma_semaphore, #tpu.memory_space<semaphore_mem>> -> memref<!tpu.dma_semaphore, #tpu.memory_space<semaphore_mem>>
    %dma_wait3A_150 = tpu.memref_slice %arg5[%arg0, %mul3A_124] : memref<2x10240xf32, #tpu.memory_space<hbm>> -> memref<1x640xf32, #tpu.memory_space<hbm>>
    %dma_wait3A_151 = tpu.memref_squeeze %dma_wait3A_150 : memref<1x640xf32, #tpu.memory_space<hbm>> -> memref<640xf32, #tpu.memory_space<hbm>>
    %dma_wait3A_152 = tpu.memref_slice %arg7[%mul3A_124] : memref<10240xf32, #tpu.memory_space<vmem_shared>> -> memref<640xf32, #tpu.memory_space<vmem_shared>>
    tpu.wait_dma2 semaphore(%dma_wait3A_149 : memref<!tpu.dma_semaphore, #tpu.memory_space<semaphore_mem>>) src(%dma_wait3A_152 : memref<640xf32, #tpu.memory_space<vmem_shared>>) dst(%dma_wait3A_151 : memref<640xf32, #tpu.memory_space<hbm>>)
    return
  }
}

module attributes {stable_mosaic.version = 14 : i64} {
  func.func @_tc_body(%arg0: i32, %arg1: memref<2x5000x128xf32, #tpu.memory_space<vmem>>, %arg2: memref<2x5000x1xf32, #tpu.memory_space<vmem>>, %arg3: memref<128x128xbf16, #tpu.memory_space<vmem>>, %arg4: memref<5000x128xf32, #tpu.memory_space<vmem>>) attributes {dimension_semantics = [#tpu.dimension_semantics<arbitrary>], iteration_bounds = array<i64: 2>, scalar_prefetch = 0 : i64, scratch_operands = 0 : i64, tpu.core_type = #tpu.core_type<tc>, window_params = [{transform_indices = @transform_0, window_bounds = array<i64: 2, 5000, 128>}, {transform_indices = @transform_1, window_bounds = array<i64: 2, 5000, 1>}, {pipeline_mode = #tpu.pipeline_mode<synchronous>, transform_indices = @transform_2, window_bounds = array<i64: 128, 128>}, {transform_indices = @transform_3, window_bounds = array<i64: 5000, 128>}]} {
    %get3A = arith.constant 0 : index
    %get3A_0 = arith.constant 0 : index
    %get3A_1 = arith.constant 0 : index
    %get3A_2 = vector.load %arg1[%get3A, %get3A_0, %get3A_1] : memref<2x5000x128xf32, #tpu.memory_space<vmem>>, vector<2x5000x128xf32>
    %slice3A = vector.extract_strided_slice %get3A_2 {offsets = [0, 0, 0], sizes = [1, 5000, 128], strides = [1, 1, 1]} : vector<2x5000x128xf32> to vector<1x5000x128xf32>
    %squeeze3A = vector.shape_cast %slice3A : vector<1x5000x128xf32> to vector<5000x128xf32>
    %slice3A_3 = vector.extract_strided_slice %get3A_2 {offsets = [1, 0, 0], sizes = [1, 5000, 128], strides = [1, 1, 1]} : vector<2x5000x128xf32> to vector<1x5000x128xf32>
    %squeeze3A_4 = vector.shape_cast %slice3A_3 : vector<1x5000x128xf32> to vector<5000x128xf32>
    %add3A = arith.addf %squeeze3A, %squeeze3A_4 : vector<5000x128xf32>
    %get3A_5 = arith.constant 0 : index
    %get3A_6 = arith.constant 0 : index
    %get3A_7 = arith.constant 0 : index
    %get3A_8 = vector.load %arg2[%get3A_5, %get3A_6, %get3A_7] : memref<2x5000x1xf32, #tpu.memory_space<vmem>>, vector<2x5000x1xf32>
    %slice3A_9 = vector.extract_strided_slice %get3A_8 {offsets = [0, 0, 0], sizes = [1, 5000, 1], strides = [1, 1, 1]} : vector<2x5000x1xf32> to vector<1x5000x1xf32>
    %squeeze3A_10 = vector.shape_cast %slice3A_9 : vector<1x5000x1xf32> to vector<5000x1xf32>
    %slice3A_11 = vector.extract_strided_slice %get3A_8 {offsets = [1, 0, 0], sizes = [1, 5000, 1], strides = [1, 1, 1]} : vector<2x5000x1xf32> to vector<1x5000x1xf32>
    %squeeze3A_12 = vector.shape_cast %slice3A_11 : vector<1x5000x1xf32> to vector<5000x1xf32>
    %add3A_13 = arith.addf %squeeze3A_10, %squeeze3A_12 : vector<5000x1xf32>
    %max3A = arith.constant 1.000000e+00 : f32
    %max3A_14 = vector.broadcast %max3A : f32 to vector<5000x1xf32>
    %max3A_15 = arith.maximumf %add3A_13, %max3A_14 : vector<5000x1xf32>
    %div3A = vector.broadcast %max3A_15 : vector<5000x1xf32> to vector<5000x128xf32>
    %div3A_16 = arith.divf %add3A, %div3A : vector<5000x128xf32>
    %convert_element_type3A = arith.truncf %div3A_16 : vector<5000x128xf32> to vector<5000x128xbf16>
    %get3A_17 = arith.constant 0 : index
    %get3A_18 = arith.constant 0 : index
    %get3A_19 = vector.load %arg3[%get3A_17, %get3A_18] : memref<128x128xbf16, #tpu.memory_space<vmem>>, vector<128x128xbf16>
    %dot_general3A = arith.constant dense<0.000000e+00> : vector<5000x128xf32>
    %dot_general3A_20 = tpu.matmul %convert_element_type3A, %get3A_19, %dot_general3A {dimension_numbers = #tpu.dot_dimension_numbers<[1], [1], [0], [0], [0, 0, 1, 0], [], []>, transpose_lhs_hint = false} : vector<5000x128xbf16>, vector<128x128xbf16>, vector<5000x128xf32> -> vector<5000x128xf32>
    %swap3A = arith.constant 0 : index
    %swap3A_21 = arith.constant 0 : index
    %swap3A_22 = vector.load %arg4[%swap3A, %swap3A_21] : memref<5000x128xf32, #tpu.memory_space<vmem>>, vector<5000x128xf32>
    tpu.vector_store %arg4[%swap3A, %swap3A_21], %dot_general3A_20 {strides = array<i32>} : memref<5000x128xf32, #tpu.memory_space<vmem>>, vector<5000x128xf32>,
    return
  }
  func.func @transform_0(%arg0: i32) -> (i32, i32, i32) {
    %c0_i32 = arith.constant 0 : i32
    %c0_i32_0 = arith.constant 0 : i32
    %c0_i32_1 = arith.constant 0 : i32
    return %c0_i32, %arg0, %c0_i32_0 : i32, i32, i32
  }
  func.func @transform_1(%arg0: i32) -> (i32, i32, i32) {
    %c0_i32 = arith.constant 0 : i32
    %c0_i32_0 = arith.constant 0 : i32
    %c0_i32_1 = arith.constant 0 : i32
    return %c0_i32, %arg0, %c0_i32_0 : i32, i32, i32
  }
  func.func @transform_2(%arg0: i32) -> (i32, i32) {
    %c0_i32 = arith.constant 0 : i32
    %c0_i32_0 = arith.constant 0 : i32
    %c0_i32_1 = arith.constant 0 : i32
    return %c0_i32, %c0_i32_0 : i32, i32
  }
  func.func @transform_3(%arg0: i32) -> (i32, i32) {
    %c0_i32 = arith.constant 0 : i32
    %c0_i32_0 = arith.constant 0 : i32
    return %arg0, %c0_i32 : i32, i32
  }
}

</mosaic_0001>

<sc_bundles>
// kernel: kernel.4.cloned.1.call-start
scs
__scs_entry_jumppad:
0x0: {  	(pc) =	sbr.rel $0x88, $3  }
0x1: {  	(tag) =	ssettag $0x0;
	lr =	simm.s32 $0x1  }
0x2: {  	[smem:$0x3F9E] =	sst lr;
	_ =	strace $0xD0000000  }
0x3: {  	_ = 	snop  }
0x4: {  	_ = 	snop  }
0x5: {  	_ = 	snop  }
0x6: {  	_ = 	snop  }
0x7: {  	_ = 	snop  }
__scs_overlays_trampoline_lowered:
0x8: {  	[smem:$0x3FAD] =	sst s0  }
0x9: {  	[smem:$0x3FAE] =	sst s1  }
0xa: {  	[smem:$0x3FAF] =	sst s2  }
0xb: {  	[smem:$0x3FB0] =	sst s3  }
0xc: {  	[smem:$0x3FB1] =	sst s4  }
0xd: {  	[smem:$0x3FB2] =	sst s5  }
0xe: {  	[smem:$0x3FB3] =	sst s6  }
0xf: {  	[smem:$0x3FB4] =	sst s7  }
0x10: {  	[smem:$0x3FB5] =	sst s8  }
0x11: {  	[smem:$0x3FB6] =	sst s9;
	s0 =	simm.s32 @!p0 $0x0  }
0x12: {  	s1 =	sld [smem:$0x3F9C];
	s0 =	simm.s32 @p0 $0x1  }
0x13: {  	[smem:$0x3FB7] =	sst s0;
	s0 =	simm.s32 @!p1 $0x0  }
0x14: {  	s2 =	sld [smem:$0x3F9B];
	s0 =	simm.s32 @p1 $0x1  }
0x15: {  	[smem:$0x3FB8] =	sst s0;
	s0 =	simm.s32 @!p2 $0x0  }
0x16: {  	s3 =	sld [smem:$0x3FDB];
	s0 =	simm.s32 @p2 $0x1  }
0x17: {  	s4 =	simm.s32 $0x1BF5;
	[smem:$0x3FBA] =	sst s0  }
0x18: {  	s0 =	sld [smem:$0x3F9D];
	_ =	swait.ge [sflag:s4], $0x0  }
0x19: {  	s7 =	sld [smem:$0x3F9E]  }
0x1a: {  	s8 =	sadd.s32 $0xFFFFE003, lr  }
0x1b: {  	s9 =	sadd.s32 $0xFFFFFEF7, lr;
	s5 =	simm.s32 $0xFFFFFFFF;
	p2 =	slt.u32 s8, $0xFFFFF086  }
0x1c: {  	p1 =	slt.u32 s9, $0xF7A;
	s5 =	simm.s32 @!p2 $0x0  }
0x1d: {  	s5 =	simm.s32 @p1 $0x1;
	p0 =	seq.s32 s7, s2  }
0x1e: {  	s7 =	smul.u32 @!p0 $0xF7A, s2;
	p2 =	seq.s32 @!p0 s5, $0x0  }
0x1f: {  	s9 =	smul.u32 $0xF7A, s1;
	s8 =	simm.s32 @!p0 $0x1BF5;
	p2 =	por !p2, p0  }
0x20: {  	[sflag:s8] =	ssyncset.s32 @!p0 $0xFFFFF086;
	s6 =	sadd.s32 @!p0 s3, s7;
	s7 =	simm.s32 @!p0 $0x108  }
0x21: {  	s3 =	sadd.s32 s3, s9;
	s6 =	sadd.s32 @!p0 $0x88, s6;
	s7 =	simm.s32 @p2 $0x1082  }
0x22: {  	[simem:s7], [sflag:s8] =	dma.local @!p0 [hbm:s6], $0xF7A  }
0x23: {  	s9 =	sor.u32 $0xD0000000, s2;
	s6 =	simm.s32 $0x108;
	_ =	swait.ge @!p0 [sflag:s8], $0x0  }
0x24: {  	s3 =	sadd.s32 $0x88, s3;
	s6 =	simm.s32 @!p1 $0x1082;
	[sflag:s4] =	ssyncset.s32 $0xFFFFF086  }
0x25: {  	[simem:s6], [sflag:s4] =	dma.local [hbm:s3], $0xF7A  }
0x26: {  	[smem:$0x3F9E] =	sst s1;
	(tag) =	ssettag s2;
	_ =	strace s9  }
0x27: {  	s1 =	sld [smem:$0x3FAE]  }
0x28: {  	s2 =	sld [smem:$0x3FAF]  }
0x29: {  	s4 =	sld [smem:$0x3FB1]  }
0x2a: {  	p0 =	seq.s32 s5, $0x0;
	s5 =	sld [smem:$0x3FB2]  }
0x2b: {  	s6 =	sld [smem:$0x3FB3]  }
0x2c: {  	s7 =	sld [smem:$0x3FB4]  }
0x2d: {  	s3 =	simm.s32 $0x108;
	s8 =	sld [smem:$0x3FB5]  }
0x2e: {  	s3 =	simm.s32 @!p0 $0x1082;
	s9 =	sld [smem:$0x3FB6]  }
0x2f: {  	lr =	sadd.s32 s0, s3;
	s0 =	sld [smem:$0x3FAD]  }
0x30: {  	s3 =	sld [smem:$0x3FB0]  }
0x31: {  	[smem:$0x3FB9] =	sst s10  }
0x32: {  	s10 =	sld [smem:$0x3FB7];
	_ =	sdelay $0x3  }
0x33: {  	p0 =	seq.s32 s10, $0x1;
	s10 =	sld [smem:$0x3FB9];
	_ =	sdelay $0x3  }
0x34: {  	[smem:$0x3FB9] =	sst s10  }
0x35: {  	s10 =	sld [smem:$0x3FB8];
	_ =	sdelay $0x3  }
0x36: {  	p1 =	seq.s32 s10, $0x1;
	s10 =	sld [smem:$0x3FB9];
	_ =	sdelay $0x3  }
0x37: {  	[smem:$0x3FB9] =	sst s10  }
0x38: {  	s10 =	sld [smem:$0x3FBA]  }
0x39: {  	_ = 	snop;
	(pc) =	sbr.ind lr, $3  }
0x3a: {  	_ = 	snop  }
0x3b: {  	_ = 	snop  }
0x3c: {  	p2 =	seq.s32 s10, $0x1;
	s10 =	sld [smem:$0x3FB9]  }
0x3d: {  	_ =	shalt  }
0x3e: {  	_ =	shalt  }
0x3f: {  	_ =	shalt  }
0x40: {  	_ =	shalt  }
0x41: {  	_ =	shalt  }
0x42: {  	_ =	shalt  }
0x43: {  	_ =	shalt  }
0x44: {  	_ =	shalt  }
0x45: {  	_ =	shalt  }
0x46: {  	_ =	shalt  }
0x47: {  	_ =	shalt  }
0x48: {  	_ =	shalt  }
0x49: {  	_ =	shalt  }
0x4a: {  	_ =	shalt  }
0x4b: {  	_ =	shalt  }
0x4c: {  	_ =	shalt  }
0x4d: {  	_ =	shalt  }
0x4e: {  	_ =	shalt  }
0x4f: {  	_ =	shalt  }
0x50: {  	_ =	shalt  }
0x51: {  	_ =	shalt  }
0x52: {  	_ =	shalt  }
0x53: {  	_ =	shalt  }
0x54: {  	_ =	shalt  }
0x55: {  	_ =	shalt  }
0x56: {  	_ =	shalt  }
0x57: {  	_ =	shalt  }
0x58: {  	_ =	shalt  }
0x59: {  	_ =	shalt  }
0x5a: {  	_ =	shalt  }
0x5b: {  	_ =	shalt  }
0x5c: {  	_ =	shalt  }
0x5d: {  	_ =	shalt  }
0x5e: {  	_ =	shalt  }
0x5f: {  	_ =	shalt  }
0x60: {  	_ =	shalt  }
0x61: {  	_ =	shalt  }
0x62: {  	_ =	shalt  }
0x63: {  	_ =	shalt  }
0x64: {  	_ =	shalt  }
0x65: {  	_ =	shalt  }
0x66: {  	_ =	shalt  }
0x67: {  	_ =	shalt  }
0x68: {  	_ =	shalt  }
0x69: {  	_ =	shalt  }
0x6a: {  	_ =	shalt  }
0x6b: {  	_ =	shalt  }
0x6c: {  	_ =	shalt  }
0x6d: {  	_ =	shalt  }
0x6e: {  	_ =	shalt  }
0x6f: {  	_ =	shalt  }
0x70: {  	_ =	shalt  }
0x71: {  	_ =	shalt  }
0x72: {  	_ =	shalt  }
0x73: {  	_ =	shalt  }
0x74: {  	_ =	shalt  }
0x75: {  	_ =	shalt  }
0x76: {  	_ =	shalt  }
0x77: {  	_ =	shalt  }
0x78: {  	_ =	shalt  }
0x79: {  	_ =	shalt  }
0x7a: {  	_ =	shalt  }
0x7b: {  	_ =	shalt  }
0x7c: {  	_ =	shalt  }
0x7d: {  	_ =	shalt  }
0x7e: {  	_ =	shalt  }
0x7f: {  	_ =	shalt  }
0x80: {  	_ =	shalt  }
0x81: {  	_ =	shalt  }
0x82: {  	_ =	shalt  }
0x83: {  	_ =	shalt  }
0x84: {  	_ =	shalt  }
0x85: {  	_ =	shalt  }
0x86: {  	_ =	shalt  }
0x87: {  	_ =	shalt  }
.Lfunc_end0:
.L_simem_size_0:
called_computation_lowered:
.L_overlay_start_0:
0x88: {  	s2 =	sld [smem:$0x3FD9]  }
0x89: {  	s3 =	sld [smem:$0x3FFE];
	_ =	sdelay $0x1  }
0x8a: {  	s1 =	srdreg.scid  }
0x8b: {  	s0 =	sand.u32 $0x1, s1  }
0x8c: {  	s17 =	sshll.u32 s0, $0xA;
	s2 =	sadd.s32 s3, s2  }
0x8d: {  	s2 =	sadd.s32 s2, s17  }
0x8e: {  	[smem:$0x3FC5] =	sst s2  }
0x8f: {  	_ = 	snop  }
0x90: {  	s2 =	sld [smem:$0x3FC9]  }
0x91: {  	s18 =	sld [smem:$0x3FD0];
	(tm) =	ssettm $0x1  }
0x92: {  	s4 =	sld [smem:$0x3FFB];
	_ =	sdelay $0x3  }
0x93: {  	_ =	strace s4  }
0x94: {  	s4 =	sld [smem:$0x3FFC];
	_ =	sdelay $0x3  }
0x95: {  	_ =	strace s4  }
0x96: {  	s4 =	sld [smem:$0x3FFD];
	_ =	sdelay $0x3  }
0x97: {  	_ =	strace s4  }
0x98: {  	_ =	strace $0x8FFFFFFF  }
0x99: {  	s19 =	sld [smem:$0x3FDB];
	_ =	sdelay $0x1  }
0x9a: {  	s5 =	simm.s32 $_scs_section_size  }
0x9b: {  	s6 =	simm.s32 $_size__tile_overlayer_lowered;
	s7 =	simm.s32 $_tile_overlayer_lowered  }
0x9c: {  	s22 =	simm.s32 $0x1BFF;
	s21 =	sshll.u32 s7, $0x1;
	s4 =	sadd.s32 s5, s19  }
0x9d: {  	s8 =	simm.s32 $0x0;
	s20 =	sshll.u32 s6, $0x1;
	s6 =	sadd.s32 s21, s4  }
0x9e: {  	[timem:s8], [sflag:s22] =	dma.local [hbm:s6], s20  }
0x9f: {  	_ =	swait.ge [sflag:s22], s20  }
0xa0: {  	s5 =	ssub.s32 $0x0, s20;
	[sflag:s22] =	ssyncset.done $0x0  }
0xa1: {  	[sflag:s22] =	ssyncadd.s32 s5;
	_ =	sdelay $0x1  }
0xa2: {  	s23 =	simm.s32 $0x1B8B  }
0xa3: {  	_ =	swait.ge [sflag:s23], $0x1  }
0xa4: {  	[sflag:s23] =	ssyncset.done $0x0  }
0xa5: {  	s25 =	simm.s32 $0x1B8E;
	s24 =	sld [smem:$0x3FFE];
	[sflag:s23] =	ssyncadd.s32 $0xFFFFFFFF  }
0xa6: {  	s26 =	simm.s32 $execute0_lowered;
	[smem:$0x3FD2] =	sst s25  }
0xa7: {  	s6 =	sshll.u32 s26, $0x1;
	_ =	strace $0x80000046;
	[dreg:$0x1] =	wrdreg $0xFFFFFFFF  }
0xa8: {  	s28 =	simm.s32 $_size_execute0_lowered;
	s4 =	sadd.s32 s4, s6;
	[dreg:$0x0] =	wrdreg $0x0  }
0xa9: {  	s6 =	sshll.u32 s28, $0x1;
	[dreg:$0x2] =	wrdreg s4  }
0xaa: {  	[dreg:$0x3] =	wrdreg s6  }
0xab: {  	[dreg:$0x4] =	wrdreg $0xC0  }
0xac: {  	_ =	task [dreg:s8], $0x5FFFF  }
0xad: {  	[dreg:$0x1] =	wrdreg $0xFFFFFFFF  }
0xae: {  	[dreg:$0x0] =	wrdreg $0x60  }
0xaf: {  	[dreg:$0x2] =	wrdreg s2  }
0xb0: {  	[dreg:$0x3] =	wrdreg s24  }
0xb1: {  	[dreg:$0x4] =	wrdreg s18  }
0xb2: {  	[dreg:$0x5] =	wrdreg $0x0  }
0xb3: {  	[dreg:$0x6] =	wrdreg $0x140000  }
0xb4: {  	[dreg:$0x7] =	wrdreg $0x9  }
0xb5: {  	_ =	task.clear_ibuf [dreg:s8], $0x8FFFF;
	_ =	strace $0x90000046  }
0xb6: {  	s29 =	simm.s32 $0x9;
	_ =	strace $0x80000048  }
0xb7: {  	_ =	swait.ge [sflag:s29], $0x1  }
0xb8: {  	[sflag:s29] =	ssyncadd.s32 $0xFFFFFFFF  }
0xb9: {  	_ =	strace $0x90000048  }
0xba: {  	_ =	sfence  }
0xbb: {  	s30 =	sld [smem:$0x0];
	_ =	sdelay $0x2  }
0xbc: {  	s31 =	sshll.u32 s1, $0xD;
	s1 =	sshrl.u32 s1, $0x2  }
0xbd: {  	s3 =	sand.u32 $0x4000, s31;
	s1 =	sadd.s32 s1, s30  }
0xbe: {  	s0 =	sor.u32 s3, s0;
	s1 =	sshll.u32 s1, $0x11  }
0xbf: {  	s0 =	sor.u32 s1, s0  }
0xc0: {  	s0 =	sadd.s32 $0x8F2B, s0  }
0xc1: {  	[sflag:s0] =	ssyncadd.remote.s32 $0x1  }
0xc2: {  	_ =	sfence.sel $0xFFFF  }
0xc3: {  	[dreg:$0x0] =	wrdreg $0xFFFFFFFF;
	(pc) =	sbr.abs _section_cstart, $3  }
0xc4: {  	[dreg:$0x1] =	wrdreg $0xFFFFFFFF  }
0xc5: {  	_ =	task.clear_ibuf [dreg:s8], $0x2FFFF;
	_ =	strace $0x9FFFFFFF  }
0xc6: {  	(tm) =	ssettm $0x7FFFFFFF  }
0xc7: {  	_ =	shalt  }
tec
execute0_lowered:
.L_overlay_start_1:
0x0: {  	(tag) =	ssettag $0x1  }
0x1: {  	s0 =	rddreg [dreg:$0x0]  }
0x2: {  	s1 =	rddreg [dreg:$0x1];
	s2 =	srdreg.scid  }
0x3: {  	s10 =	rddreg [dreg:$0x2];
	s15 =	stileid.u32  }
0x4: {  	s3 =	rddreg [dreg:$0x3];
	s7 =	smul.u32 $0x14000, s15  }
0x5: {  	s4 =	rddreg [dreg:$0x4];
	s5 =	simm.s32 $0x0;
	s9 =	smul.u32 $0x50000, s15  }
0x6: {  	s2 =	sand.u32 $0x1, s2;
	[smem:$0x7FF] =	sst s5;
	s26 =	smul.u32 $0x500, s15  }
0x7: {  	s6 =	smul.u32 $0x140000, s2;
	_ =	strace $0x80000047;
	s22 =	ssub.s32 $0x2, s2  }
0x8: {  	s8 =	sshll.u32 s2, $0x4;
	s2 =	sshll.u32 s2, $0x7;
	s12 =	sshrl.u32 s22, $0x1  }
0x9: {  	s13 =	sor.u32 s15, s8;
	s24 =	sshrl.u32 s9, $0x2;
	s2 =	sor.u32 s2, s26  }
0xa: {  	s6 =	sadd.s32 s7, s6;
	s14 =	ssub.s32 s22, s12;
	s25 =	smul.u32 $0x5000, s13  }
0xb: {  	s12 =	sadd.s32 $0x14C00, s1;
	s31 =	sshrl.u32 s2, $0x3;
	s7 =	sshrl.u32 s6, $0x3  }
0xc: {  	s6 =	sadd.s32 $0xC00, s1;
	s14 =	smax.u32 s14, $0x1;
	s11 =	sadd.s32 s7, s1  }
0xd: {  	s28 =	sshrl.u32 s25, $0x3;
	s1 =	sadd.s32 s10, s31;
	[dreg:$0xa] =	wrdreg s14  }
0xe: {  	s9 =	smul.u32 $0x5, s13;
	s29 =	sadd.s32 s6, s28;
	[dreg:$0x9] =	wrdreg s1  }
0xf: {  	s7 =	sadd.s32 s24, s3;
	s13 =	sadd.s32 $0x28C00, s11;
	[dreg:$0x6] =	wrdreg s29  }
0x10: {  	s23 =	smul.u32 $0xA00, s15;
	s15 =	sadd.s32 $0x800, s7;
	[dreg:$0x8] =	wrdreg s13  }
0x11: {  	s16 =	sadd.s32 $0x1000, s7;
	[dreg:$0xb] =	wrdreg s15  }
0x12: {  	s17 =	sadd.s32 $0x1800, s7;
	[dreg:$0xc] =	wrdreg s16  }
0x13: {  	s18 =	sadd.s32 $0x2000, s7;
	[dreg:$0xd] =	wrdreg s17  }
0x14: {  	s19 =	sadd.s32 $0x2800, s7;
	[dreg:$0xe] =	wrdreg s18  }
0x15: {  	s20 =	sadd.s32 $0x3000, s7;
	[dreg:$0xf] =	wrdreg s19  }
0x16: {  	s21 =	sadd.s32 $0x3800, s7;
	[dreg:$0x10] =	wrdreg s20  }
0x17: {  	s22 =	sadd.s32 $0x4000, s7;
	[dreg:$0x11] =	wrdreg s21  }
0x18: {  	s8 =	sshrl.u32 s23, $0x2;
	s23 =	sadd.s32 $0x4800, s7;
	[dreg:$0x12] =	wrdreg s22  }
0x19: {  	s24 =	sadd.s32 $0x5000, s7;
	[dreg:$0x13] =	wrdreg s23  }
0x1a: {  	s25 =	sadd.s32 $0x5800, s7;
	[dreg:$0x14] =	wrdreg s24  }
0x1b: {  	s26 =	sadd.s32 $0x6000, s7;
	[dreg:$0x15] =	wrdreg s25  }
0x1c: {  	s28 =	sadd.s32 $0x6800, s7;
	[dreg:$0x16] =	wrdreg s26  }
0x1d: {  	s31 =	sadd.s32 $0x8000, s7;
	[dreg:$0x17] =	wrdreg s28  }
0x1e: {  	s2 =	sadd.s32 $0x8800, s7;
	[dreg:$0x1a] =	wrdreg s31  }
0x1f: {  	s10 =	sadd.s32 $0x9000, s7;
	[dreg:$0x1b] =	wrdreg s2  }
0x20: {  	s11 =	sadd.s32 $0x9800, s7;
	[dreg:$0x1c] =	wrdreg s10  }
0x21: {  	s14 =	sadd.s32 $0xA800, s7;
	[dreg:$0x1d] =	wrdreg s11  }
0x22: {  	s30 =	sadd.s32 $0x14000, s29;
	[dreg:$0x1f] =	wrdreg s14  }
0x23: {  	s29 =	sadd.s32 $0x7000, s7;
	[dreg:$0x7] =	wrdreg s30  }
0x24: {  	s13 =	sadd.s32 $0xA000, s7;
	[dreg:$0x18] =	wrdreg s29  }
0x25: {  	s15 =	sadd.s32 $0xB000, s7;
	[dreg:$0x1e] =	wrdreg s13  }
0x26: {  	s16 =	sadd.s32 $0xB800, s7;
	[smem:$0x7EE] =	sst s15  }
0x27: {  	s17 =	sadd.s32 $0xC000, s7;
	[smem:$0x7EF] =	sst s16  }
0x28: {  	s18 =	sadd.s32 $0xC800, s7;
	[smem:$0x7F0] =	sst s17  }
0x29: {  	s19 =	sadd.s32 $0xD000, s7;
	[smem:$0x7F1] =	sst s18  }
0x2a: {  	s20 =	sadd.s32 $0xD800, s7;
	[smem:$0x7F2] =	sst s19  }
0x2b: {  	s21 =	sadd.s32 $0xE000, s7;
	[smem:$0x7F3] =	sst s20  }
0x2c: {  	s8 =	sadd.s32 s8, s4;
	s22 =	sadd.s32 $0xE800, s7;
	[smem:$0x7F4] =	sst s21  }
0x2d: {  	s1 =	sadd.s32 $0x13800, s7;
	s23 =	sadd.s32 $0xF000, s7;
	[smem:$0x7F5] =	sst s22  }
0x2e: {  	s24 =	sadd.s32 $0xF800, s7;
	s25 =	sadd.s32 $0x10000, s7;
	[smem:$0x7F6] =	sst s23  }
0x2f: {  	s26 =	sadd.s32 $0x10800, s7;
	s28 =	sadd.s32 $0x11000, s7;
	[smem:$0x7F7] =	sst s24  }
0x30: {  	s31 =	sadd.s32 $0x12800, s7;
	s2 =	sadd.s32 $0x13000, s7;
	[smem:$0x7F8] =	sst s25  }
0x31: {  	s11 =	simm.s32 $0x1DB00;
	s14 =	simm.s32 $0x5;
	[smem:$0x7F9] =	sst s26  }
0x32: {  	s10 =	simm.s32 $0x7;
	s30 =	sadd.s32 $0x7800, s7;
	[smem:$0x7FA] =	sst s28  }
0x33: {  	s29 =	sadd.s32 $0x11800, s7;
	[smem:$0x7FD] =	sst s31;
	s13 =	simm.s32 $0x4  }
0x34: {  	s15 =	simm.s32 $0x14280;
	s16 =	simm.s32 $0x1;
	s17 =	simm.s32 $0x2  }
0x35: {  	s18 =	simm.s32 $0x50;
	s19 =	simm.s32 $0x16280;
	s20 =	simm.s32 $0x18A80  }
0x36: {  	s21 =	simm.s32 $0x1B280;
	s22 =	simm.s32 $0x1DA80;
	[dreg:$0x19] =	wrdreg s30  }
0x37: {  	s23 =	simm.s32 $0x3;
	[smem:$0x7FB] =	sst s29;
	s30 =	sadd.s32 $0x12000, s7  }
0x38: {  	v0 =	vimm.f32 $1.000000000e+00;
	v1 =	vimm.f32 $0.0e+00;
	s24 =	simm.s32 $0x6;
	s25 =	simm.s32 $0x15E80;
	[smem:$0x7FC] =	sst s30  }
.LBB2_1:
0x39: {  	[tilespmem:$0x1DA80] =	vst v0  }
0x3a: {  	[tilespmem:$0x1DA90] =	vst v0  }
0x3b: {  	[tilespmem:$0x1DAA0] =	vst v0  }
0x3c: {  	[tilespmem:$0x1DAB0] =	vst v0  }
0x3d: {  	[tilespmem:$0x1DAC0] =	vst v0;
	s26 =	simm.s32 $0x0;
	s28 =	simm.s32 $0x200  }
.LBB2_2:
0x3e: {  	p0 =	sne.s32 s28, $0x1E00;
	[tilespmem:s26+$0x1DB70] =	vst v1  }
0x3f: {  	[tilespmem:s26+$0x1DB00] =	vst v1  }
0x40: {  	[tilespmem:s26+$0x1DB10] =	vst v1  }
.Ltmp0:
0x41: {  	[tilespmem:s26+$0x1DB20] =	vst v1;
	(pc) =	sbr.rel @p0 .LBB2_2-.Ltmp0, $4  }
0x42: {  	[tilespmem:s26+$0x1DB30] =	vst v1  }
0x43: {  	[tilespmem:s26+$0x1DB40] =	vst v1  }
0x44: {  	[tilespmem:s26+$0x1DB50] =	vst v1  }
0x45: {  	[tilespmem:s26+$0x1DB60] =	vst v1;
	s26 =	sshra.s32 s28, $0x2;
	s28 =	sadd.s32 $0x200, s28  }
0x46: {  	[tilespmem:s26+$0x1DB70] =	vst v1  }
0x47: {  	[tilespmem:s26+$0x1DB00] =	vst v1  }
0x48: {  	[tilespmem:s26+$0x1DB10] =	vst v1  }
0x49: {  	[tilespmem:s26+$0x1DB20] =	vst v1  }
0x4a: {  	[tilespmem:s26+$0x1DB30] =	vst v1  }
0x4b: {  	[tilespmem:s26+$0x1DB40] =	vst v1  }
0x4c: {  	[tilespmem:s26+$0x1DB50] =	vst v1  }
0x4d: {  	[tilespmem:s26+$0x1DB60] =	vst v1  }
0x4e: {  	[tilespmem:$0x1E300] =	vst v1  }
0x4f: {  	[tilespmem:$0x1E310] =	vst v1  }
0x50: {  	[tilespmem:$0x1E320] =	vst v1  }
0x51: {  	[tilespmem:$0x1E330] =	vst v1  }
0x52: {  	[tilespmem:$0x1E340] =	vst v1  }
0x53: {  	[tilespmem:$0x1E350] =	vst v1  }
0x54: {  	[tilespmem:$0x1E360] =	vst v1  }
0x55: {  	[tilespmem:$0x1E370] =	vst v1  }
0x56: {  	[tilespmem:$0x1E380] =	vst v1  }
0x57: {  	[tilespmem:$0x1E390] =	vst v1  }
0x58: {  	[tilespmem:$0x1E3A0] =	vst v1  }
0x59: {  	[tilespmem:$0x1E3B0] =	vst v1  }
0x5a: {  	[tilespmem:$0x1E3C0] =	vst v1  }
0x5b: {  	[tilespmem:$0x1E3D0] =	vst v1  }
0x5c: {  	[tilespmem:$0x1E3E0] =	vst v1  }
0x5d: {  	[tilespmem:$0x1E3F0] =	vst v1  }
0x5e: {  	[tilespmem:$0x1E400] =	vst v1  }
0x5f: {  	[tilespmem:$0x1E410] =	vst v1  }
0x60: {  	[tilespmem:$0x1E420] =	vst v1  }
0x61: {  	[tilespmem:$0x1E430] =	vst v1  }
0x62: {  	[tilespmem:$0x1E440] =	vst v1  }
0x63: {  	[tilespmem:$0x1E450] =	vst v1  }
0x64: {  	[tilespmem:$0x1E460] =	vst v1  }
0x65: {  	[tilespmem:$0x1E470] =	vst v1  }
0x66: {  	[tilespmem:$0x1E480] =	vst v1  }
0x67: {  	[tilespmem:$0x1E490] =	vst v1  }
0x68: {  	[tilespmem:$0x1E4A0] =	vst v1  }
0x69: {  	[tilespmem:$0x1E4B0] =	vst v1  }
0x6a: {  	[tilespmem:$0x1E4C0] =	vst v1  }
0x6b: {  	[tilespmem:$0x1E4D0] =	vst v1  }
0x6c: {  	[tilespmem:$0x1E4E0] =	vst v1  }
0x6d: {  	[tilespmem:$0x1E4F0] =	vst v1  }
0x6e: {  	[tilespmem:$0x1E500] =	vst v1  }
0x6f: {  	[tilespmem:$0x1E510] =	vst v1  }
0x70: {  	[tilespmem:$0x1E520] =	vst v1  }
0x71: {  	[tilespmem:$0x1E530] =	vst v1  }
0x72: {  	[tilespmem:$0x1E540] =	vst v1  }
0x73: {  	[tilespmem:$0x1E550] =	vst v1  }
0x74: {  	[tilespmem:$0x1E560] =	vst v1  }
0x75: {  	s30 =	rddreg [dreg:$0xb];
	[tilespmem:$0x1E570] =	vst v1  }
0x76: {  	[spmem:s7] =	stream.linear.scatter [tilespmem:s11], [sflag:$0x4], $0x800, $0x38;
	[tilespmem:$0x1E580] =	vst v63  }
0x77: {  	s31 =	rddreg [dreg:$0xc]  }
0x78: {  	[spmem:s30] =	stream.linear.scatter [tilespmem:s11], [sflag:$0x4], $0x800, $0x38;
	[tilespmem:$0x1E580] =	vst v63  }
0x79: {  	s28 =	rddreg [dreg:$0xd]  }
0x7a: {  	[spmem:s31] =	stream.linear.scatter [tilespmem:s11], [sflag:$0x4], $0x800, $0x38;
	[tilespmem:$0x1E580] =	vst v63  }
0x7b: {  	s29 =	rddreg [dreg:$0xe]  }
0x7c: {  	[spmem:s28] =	stream.linear.scatter [tilespmem:s11], [sflag:$0x4], $0x800, $0x38;
	[tilespmem:$0x1E580] =	vst v63  }
0x7d: {  	s30 =	rddreg [dreg:$0xf]  }
0x7e: {  	[spmem:s29] =	stream.linear.scatter [tilespmem:s11], [sflag:$0x4], $0x800, $0x38;
	[tilespmem:$0x1E580] =	vst v63  }
0x7f: {  	s31 =	rddreg [dreg:$0x10]  }
0x80: {  	[spmem:s30] =	stream.linear.scatter [tilespmem:s11], [sflag:$0x4], $0x800, $0x38;
	[tilespmem:$0x1E580] =	vst v63  }
0x81: {  	s28 =	rddreg [dreg:$0x11]  }
0x82: {  	[spmem:s31] =	stream.linear.scatter [tilespmem:s11], [sflag:$0x4], $0x800, $0x38;
	[tilespmem:$0x1E580] =	vst v63  }
0x83: {  	s29 =	rddreg [dreg:$0x12]  }
0x84: {  	[spmem:s28] =	stream.linear.scatter [tilespmem:s11], [sflag:$0x4], $0x800, $0x38;
	[tilespmem:$0x1E580] =	vst v63  }
0x85: {  	s30 =	rddreg [dreg:$0x13]  }
0x86: {  	[spmem:s29] =	stream.linear.scatter [tilespmem:s11], [sflag:$0x4], $0x800, $0x38;
	[tilespmem:$0x1E580] =	vst v63  }
0x87: {  	s31 =	rddreg [dreg:$0x14]  }
0x88: {  	[spmem:s30] =	stream.linear.scatter [tilespmem:s11], [sflag:$0x4], $0x800, $0x38;
	[tilespmem:$0x1E580] =	vst v63  }
0x89: {  	s28 =	rddreg [dreg:$0x15]  }
0x8a: {  	[spmem:s31] =	stream.linear.scatter [tilespmem:s11], [sflag:$0x4], $0x800, $0x38;
	[tilespmem:$0x1E580] =	vst v63  }
0x8b: {  	s29 =	rddreg [dreg:$0x16]  }
0x8c: {  	[spmem:s28] =	stream.linear.scatter [tilespmem:s11], [sflag:$0x4], $0x800, $0x38;
	[tilespmem:$0x1E580] =	vst v63  }
0x8d: {  	s30 =	rddreg [dreg:$0x17]  }
0x8e: {  	[spmem:s29] =	stream.linear.scatter [tilespmem:s11], [sflag:$0x4], $0x800, $0x38;
	[tilespmem:$0x1E580] =	vst v63  }
0x8f: {  	s31 =	rddreg [dreg:$0x18]  }
0x90: {  	[spmem:s30] =	stream.linear.scatter [tilespmem:s11], [sflag:$0x4], $0x800, $0x38;
	[tilespmem:$0x1E580] =	vst v63  }
0x91: {  	s28 =	rddreg [dreg:$0x19]  }
0x92: {  	[spmem:s31] =	stream.linear.scatter [tilespmem:s11], [sflag:$0x4], $0x800, $0x38;
	[tilespmem:$0x1E580] =	vst v63  }
0x93: {  	s29 =	rddreg [dreg:$0x1a]  }
0x94: {  	[spmem:s28] =	stream.linear.scatter [tilespmem:s11], [sflag:$0x4], $0x800, $0x38;
	[tilespmem:$0x1E580] =	vst v63  }
0x95: {  	s30 =	rddreg [dreg:$0x1b]  }
0x96: {  	[spmem:s29] =	stream.linear.scatter [tilespmem:s11], [sflag:$0x4], $0x800, $0x38;
	[tilespmem:$0x1E580] =	vst v63  }
0x97: {  	s31 =	rddreg [dreg:$0x1c]  }
0x98: {  	[spmem:s30] =	stream.linear.scatter [tilespmem:s11], [sflag:$0x4], $0x800, $0x38;
	[tilespmem:$0x1E580] =	vst v63  }
0x99: {  	s28 =	rddreg [dreg:$0x1d]  }
0x9a: {  	[spmem:s31] =	stream.linear.scatter [tilespmem:s11], [sflag:$0x4], $0x800, $0x38;
	[tilespmem:$0x1E580] =	vst v63  }
0x9b: {  	s29 =	rddreg [dreg:$0x1e]  }
0x9c: {  	[spmem:s28] =	stream.linear.scatter [tilespmem:s11], [sflag:$0x4], $0x800, $0x38;
	[tilespmem:$0x1E580] =	vst v63  }
0x9d: {  	s30 =	rddreg [dreg:$0x1f]  }
0x9e: {  	[spmem:s29] =	stream.linear.scatter [tilespmem:s11], [sflag:$0x4], $0x800, $0x38;
	[tilespmem:$0x1E580] =	vst v63  }
0x9f: {  	s31 =	sld [smem:$0x7EE]  }
0xa0: {  	[spmem:s30] =	stream.linear.scatter [tilespmem:s11], [sflag:$0x4], $0x800, $0x38;
	[tilespmem:$0x1E580] =	vst v63  }
0xa1: {  	s28 =	sld [smem:$0x7EF]  }
0xa2: {  	[spmem:s31] =	stream.linear.scatter [tilespmem:s11], [sflag:$0x4], $0x800, $0x38;
	[tilespmem:$0x1E580] =	vst v63  }
0xa3: {  	s29 =	sld [smem:$0x7F0]  }
0xa4: {  	[spmem:s28] =	stream.linear.scatter [tilespmem:s11], [sflag:$0x4], $0x800, $0x38;
	[tilespmem:$0x1E580] =	vst v63  }
0xa5: {  	s30 =	sld [smem:$0x7F1]  }
0xa6: {  	[spmem:s29] =	stream.linear.scatter [tilespmem:s11], [sflag:$0x4], $0x800, $0x38;
	[tilespmem:$0x1E580] =	vst v63  }
0xa7: {  	s31 =	sld [smem:$0x7F2]  }
0xa8: {  	[spmem:s30] =	stream.linear.scatter [tilespmem:s11], [sflag:$0x4], $0x800, $0x38;
	[tilespmem:$0x1E580] =	vst v63  }
0xa9: {  	s28 =	sld [smem:$0x7F3]  }
0xaa: {  	[spmem:s31] =	stream.linear.scatter [tilespmem:s11], [sflag:$0x4], $0x800, $0x38;
	[tilespmem:$0x1E580] =	vst v63  }
0xab: {  	s29 =	sld [smem:$0x7F4]  }
0xac: {  	[spmem:s28] =	stream.linear.scatter [tilespmem:s11], [sflag:$0x4], $0x800, $0x38;
	[tilespmem:$0x1E580] =	vst v63  }
0xad: {  	s30 =	sld [smem:$0x7F5]  }
0xae: {  	[spmem:s29] =	stream.linear.scatter [tilespmem:s11], [sflag:$0x4], $0x800, $0x38;
	[tilespmem:$0x1E580] =	vst v63  }
0xaf: {  	s31 =	sld [smem:$0x7F6]  }
0xb0: {  	[spmem:s30] =	stream.linear.scatter [tilespmem:s11], [sflag:$0x4], $0x800, $0x38;
	[tilespmem:$0x1E580] =	vst v63  }
0xb1: {  	s28 =	sld [smem:$0x7F7]  }
0xb2: {  	[spmem:s31] =	stream.linear.scatter [tilespmem:s11], [sflag:$0x4], $0x800, $0x38;
	[tilespmem:$0x1E580] =	vst v63  }
0xb3: {  	s29 =	sld [smem:$0x7F8]  }
0xb4: {  	[spmem:s28] =	stream.linear.scatter [tilespmem:s11], [sflag:$0x4], $0x800, $0x38;
	[tilespmem:$0x1E580] =	vst v63  }
0xb5: {  	s30 =	sld [smem:$0x7F9]  }
0xb6: {  	[spmem:s29] =	stream.linear.scatter [tilespmem:s11], [sflag:$0x4], $0x800, $0x38;
	[tilespmem:$0x1E580] =	vst v63  }
0xb7: {  	s31 =	sld [smem:$0x7FA]  }
0xb8: {  	[spmem:s30] =	stream.linear.scatter [tilespmem:s11], [sflag:$0x4], $0x800, $0x38;
	[tilespmem:$0x1E580] =	vst v63  }
0xb9: {  	s28 =	sld [smem:$0x7FB]  }
0xba: {  	[spmem:s31] =	stream.linear.scatter [tilespmem:s11], [sflag:$0x4], $0x800, $0x38;
	[tilespmem:$0x1E580] =	vst v63  }
0xbb: {  	s29 =	sld [smem:$0x7FC]  }
0xbc: {  	[spmem:s28] =	stream.linear.scatter [tilespmem:s11], [sflag:$0x4], $0x800, $0x38;
	[tilespmem:$0x1E580] =	vst v63  }
0xbd: {  	s30 =	sld [smem:$0x7FD]  }
0xbe: {  	[spmem:s29] =	stream.linear.scatter [tilespmem:s11], [sflag:$0x4], $0x800, $0x38;
	[tilespmem:$0x1E580] =	vst v63  }
0xbf: {  	_ = 	snop  }
0xc0: {  	[spmem:s30] =	stream.linear.scatter [tilespmem:s11], [sflag:$0x4], $0x800, $0x38;
	[tilespmem:$0x1E580] =	vst v63  }
0xc1: {  	_ = 	snop  }
0xc2: {  	[spmem:s2] =	stream.linear.scatter [tilespmem:s11], [sflag:$0x4], $0x800, $0x38;
	[tilespmem:$0x1E580] =	vst v63  }
0xc3: {  	_ = 	snop  }
0xc4: {  	[spmem:s1] =	stream.linear.scatter [tilespmem:s11], [sflag:$0x4], $0x800, $0x38;
	[tilespmem:$0x1E580] =	vst v63  }
0xc5: {  	s31 =	simm.s32 $0x1E300  }
0xc6: {  	[spmem:s8] =	stream.linear.scatter [tilespmem:s31], [sflag:$0x5], $0x280, $0x38;
	[tilespmem:$0x1E580] =	vst v63  }
0xc7: {  	_ =	swait.ge [sflag:s13], $0x800  }
0xc8: {  	s26 =	simm.s32 $0x27;
	[sflag:s13] =	ssyncset.done $0x0  }
.LBB2_4:
0xc9: {  	p0 =	sne.s32 s26, $0x1;
	s26 =	sadd.s32 $0xFFFFFFFF, s26;
	[sflag:s13] =	ssyncadd.s32 $0xFFFFF800  }
.Ltmp1:
0xca: {  	(pc) =	sbr.rel @p0 .LBB2_4-.Ltmp1, $3  }
0xcb: {  	_ =	sdelay $0x1  }
0xcc: {  	_ =	swait.ge [sflag:s13], $0x800  }
0xcd: {  	[sflag:s13] =	ssyncset.done $0x0  }
0xce: {  	[sflag:s13] =	ssyncadd.s32 $0xFFFFF800  }
0xcf: {  	_ =	swait.ge [sflag:s14], $0x280  }
0xd0: {  	[sflag:s14] =	ssyncset.done $0x0  }
0xd1: {  	s26 =	simm.s32 $0x0;
	s28 =	rddreg [dreg:$0x6];
	[sflag:s14] =	ssyncadd.s32 $0xFFFFFD80  }
0xd2: {  	[tilespmem:s15], [sflag:$0x1] =	stream.linear.gather [hbm4b:s28+s26], $0xC80, $0x38;
	[tilespmem:$0x1E580] =	vst v63  }
0xd3: {  	s29 =	simm.s32 $0x15280;
	s31 =	rddreg [dreg:$0x7]  }
0xd4: {  	[tilespmem:s29], [sflag:$0x2] =	stream.linear.gather [hbm4b:s31+s26], $0xC80, $0x38;
	[tilespmem:$0x1E580] =	vst v63  }
0xd5: {  	_ =	swait.ge [sflag:s16], $0xC80  }
0xd6: {  	[sflag:s16] =	ssyncset.done $0x0  }
0xd7: {  	[sflag:s16] =	ssyncadd.s32 $0xFFFFF380  }
0xd8: {  	_ =	swait.ge [sflag:s17], $0xC80  }
0xd9: {  	[sflag:s17] =	ssyncset.done $0x0  }
0xda: {  	[sflag:s17] =	ssyncadd.s32 $0xFFFFF380  }
0xdb: {  	[tilespmem:s19], [sflag:$0x1] =	stream.indirect.gather [hbm4b:s0+s18], $0x80, s15, s18, $0xb8;
	[tilespmem:$0x1E580] =	vst v63  }
0xdc: {  	s30 =	simm.s32 $0x14300  }
0xdd: {  	[tilespmem:s20], [sflag:$0x2] =	stream.indirect.gather [hbm4b:s0+s18], $0x80, s30, s18, $0xb8;
	[tilespmem:$0x1E580] =	vst v63  }
0xde: {  	s31 =	simm.s32 $0x14380  }
0xdf: {  	[tilespmem:s21], [sflag:$0x3] =	stream.indirect.gather [hbm4b:s0+s18], $0x80, s31, s18, $0xb8;
	[tilespmem:$0x1E580] =	vst v63  }
0xe0: {  	[bflag:$0x0] =	sbarrier.arrive $0xFFFF  }
.LBB2_6:
0xe1: {  	p0 =	seq.s32 s26, $0x0  }
0xe2: {  	s28 =	sadd.s32 @!p0 s9, s26  }
0xe3: {  	s28 =	sshll.u32 @!p0 s28, $0x9  }
0xe4: {  	s30 =	simm.s32 @!p0 $0x0;
	s31 =	simm.s32 @!p0 $0x14280;
	s29 =	sadd.s32 @!p0 s6, s28  }
0xe5: {  	[tilespmem:s31], [sflag:$0x1] =	stream.linear.gather @!p0 [hbm4b:s29+s30], $0xC80, $0x38;
	[tilespmem:$0x1E580] =	vst v63  }
0xe6: {  	s28 =	sadd.s32 @!p0 s28, s12;
	s29 =	simm.s32 @!p0 $0x15280  }
0xe7: {  	[tilespmem:s29], [sflag:$0x2] =	stream.linear.gather @!p0 [hbm4b:s28+s30], $0xC80, $0x38;
	[tilespmem:$0x1E580] =	vst v63  }
0xe8: {  	s28 =	simm.s32 @!p0 $0x1  }
0xe9: {  	_ =	swait.ge @!p0 [sflag:s28], $0xC80  }
0xea: {  	[sflag:s28] =	ssyncset.done @!p0 $0x0  }
0xeb: {  	[sflag:s28] =	ssyncadd.s32 @!p0 $0xFFFFF380;
	s28 =	simm.s32 @!p0 $0x2  }
0xec: {  	_ =	swait.ge @!p0 [sflag:s28], $0xC80  }
0xed: {  	[sflag:s28] =	ssyncset.done @!p0 $0x0  }
0xee: {  	s29 =	simm.s32 @!p0 $0x16280;
	[sflag:s28] =	ssyncadd.s32 @!p0 $0xFFFFF380;
	s28 =	simm.s32 @!p0 $0x50  }
0xef: {  	[tilespmem:s29], [sflag:$0x1] =	stream.indirect.gather @!p0 [hbm4b:s0+s28], $0x80, s31, s28, $0xb8;
	[tilespmem:$0x1E580] =	vst v63  }
0xf0: {  	s30 =	simm.s32 @!p0 $0x18A80;
	s29 =	simm.s32 @!p0 $0x14300  }
0xf1: {  	[tilespmem:s30], [sflag:$0x2] =	stream.indirect.gather @!p0 [hbm4b:s0+s28], $0x80, s29, s28, $0xb8;
	[tilespmem:$0x1E580] =	vst v63  }
0xf2: {  	s29 =	simm.s32 @!p0 $0x14380;
	s30 =	simm.s32 @!p0 $0x1B280  }
0xf3: {  	[tilespmem:s30], [sflag:$0x3] =	stream.indirect.gather @!p0 [hbm4b:s0+s28], $0x80, s29, s28, $0xb8;
	[tilespmem:$0x1E580] =	vst v63  }
0xf4: {  	_ =	swait.ge [sflag:s16], $0x2800  }
0xf5: {  	[sflag:s16] =	ssyncset.done $0x0  }
0xf6: {  	s28 =	simm.s32 $0x15280;
	[sflag:s16] =	ssyncadd.s32 $0xFFFFD800  }
0xf7: {  	[spmem:s3] =	stream.indirect.scatter.add.f32 [tilespmem:s19], [sflag:$0x4], $0x80, s28, s18, $0xb8;
	[tilespmem:$0x1E580] =	vst v63  }
0xf8: {  	_ = 	snop  }
0xf9: {  	[spmem:s4] =	stream.indirect.scatter.add.f32 [tilespmem:s22], [sflag:$0x7], $0x1, s28, s18, $0xb8;
	[tilespmem:$0x1E580] =	vst v63  }
0xfa: {  	_ =	swait.ge [sflag:s10], $0x50  }
0xfb: {  	[sflag:s10] =	ssyncset.done $0x0  }
0xfc: {  	[sflag:s10] =	ssyncadd.s32 $0xFFFFFFB0  }
0xfd: {  	_ =	swait.ge [sflag:s13], $0x2800  }
0xfe: {  	[sflag:s13] =	ssyncset.done $0x0  }
0xff: {  	s28 =	simm.s32 $0x14400;
	[sflag:s13] =	ssyncadd.s32 $0xFFFFD800  }
0x100: {  	[tilespmem:s19], [sflag:$0x1] =	stream.indirect.gather [hbm4b:s0+s18], $0x80, s28, s18, $0xb8;
	[tilespmem:$0x1E580] =	vst v63  }
0x101: {  	_ =	swait.ge [sflag:s17], $0x2800  }
0x102: {  	[sflag:s17] =	ssyncset.done $0x0  }
0x103: {  	s28 =	simm.s32 $0x15300;
	[sflag:s17] =	ssyncadd.s32 $0xFFFFD800  }
0x104: {  	[spmem:s3] =	stream.indirect.scatter.add.f32 [tilespmem:s20], [sflag:$0x5], $0x80, s28, s18, $0xb8;
	[tilespmem:$0x1E580] =	vst v63  }
0x105: {  	_ = 	snop  }
0x106: {  	[spmem:s4] =	stream.indirect.scatter.add.f32 [tilespmem:s22], [sflag:$0x7], $0x1, s28, s18, $0xb8;
	[tilespmem:$0x1E580] =	vst v63  }
0x107: {  	_ =	swait.ge [sflag:s10], $0x50  }
0x108: {  	[sflag:s10] =	ssyncset.done $0x0  }
0x109: {  	[sflag:s10] =	ssyncadd.s32 $0xFFFFFFB0  }
0x10a: {  	_ =	swait.ge [sflag:s14], $0x2800  }
0x10b: {  	[sflag:s14] =	ssyncset.done $0x0  }
0x10c: {  	s28 =	simm.s32 $0x14480;
	[sflag:s14] =	ssyncadd.s32 $0xFFFFD800  }
0x10d: {  	[tilespmem:s20], [sflag:$0x2] =	stream.indirect.gather [hbm4b:s0+s18], $0x80, s28, s18, $0xb8;
	[tilespmem:$0x1E580] =	vst v63  }
0x10e: {  	_ =	swait.ge [sflag:s23], $0x2800  }
0x10f: {  	[sflag:s23] =	ssyncset.done $0x0  }
0x110: {  	s28 =	simm.s32 $0x15380;
	[sflag:s23] =	ssyncadd.s32 $0xFFFFD800  }
0x111: {  	[spmem:s3] =	stream.indirect.scatter.add.f32 [tilespmem:s21], [sflag:$0x6], $0x80, s28, s18, $0xb8;
	[tilespmem:$0x1E580] =	vst v63  }
0x112: {  	_ = 	snop  }
0x113: {  	[spmem:s4] =	stream.indirect.scatter.add.f32 [tilespmem:s22], [sflag:$0x7], $0x1, s28, s18, $0xb8;
	[tilespmem:$0x1E580] =	vst v63  }
0x114: {  	_ =	swait.ge [sflag:s10], $0x50  }
0x115: {  	[sflag:s10] =	ssyncset.done $0x0  }
0x116: {  	[sflag:s10] =	ssyncadd.s32 $0xFFFFFFB0  }
0x117: {  	_ =	swait.ge [sflag:s24], $0x2800  }
0x118: {  	[sflag:s24] =	ssyncset.done $0x0  }
0x119: {  	s29 =	simm.s32 $0x14500;
	s28 =	simm.s32 $0x600;
	[sflag:s24] =	ssyncadd.s32 $0xFFFFD800  }
.LBB2_7:
0x11a: {  	[tilespmem:s21], [sflag:$0x3] =	stream.indirect.gather [hbm4b:s0+s18], $0x80, s29, s18, $0xb8;
	[tilespmem:$0x1E580] =	vst v63  }
0x11b: {  	s29 =	smov.u32 s28;
	s28 =	sadd.s32 $0x600, s28;
	_ =	swait.ge [sflag:s16], $0x2800  }
0x11c: {  	s29 =	sshra.s32 s29, $0x2;
	p0 =	sne.s32 s28, $0x2A00;
	[sflag:s16] =	ssyncset.done $0x0  }
0x11d: {  	s30 =	sadd.s32 $0x15280, s29;
	[sflag:s16] =	ssyncadd.s32 $0xFFFFD800  }
0x11e: {  	[spmem:s3] =	stream.indirect.scatter.add.f32 [tilespmem:s19], [sflag:$0x4], $0x80, s30, s18, $0xb8;
	[tilespmem:$0x1E580] =	vst v63  }
0x11f: {  	_ = 	snop  }
0x120: {  	[spmem:s4] =	stream.indirect.scatter.add.f32 [tilespmem:s22], [sflag:$0x7], $0x1, s30, s18, $0xb8;
	[tilespmem:$0x1E580] =	vst v63  }
0x121: {  	_ =	swait.ge [sflag:s10], $0x50  }
0x122: {  	[sflag:s10] =	ssyncset.done $0x0  }
0x123: {  	[sflag:s10] =	ssyncadd.s32 $0xFFFFFFB0  }
0x124: {  	_ =	swait.ge [sflag:s13], $0x2800  }
0x125: {  	[sflag:s13] =	ssyncset.done $0x0  }
0x126: {  	s30 =	sadd.s32 $0x14400, s29;
	[sflag:s13] =	ssyncadd.s32 $0xFFFFD800  }
0x127: {  	[tilespmem:s19], [sflag:$0x1] =	stream.indirect.gather [hbm4b:s0+s18], $0x80, s30, s18, $0xb8;
	[tilespmem:$0x1E580] =	vst v63  }
0x128: {  	_ =	swait.ge [sflag:s17], $0x2800  }
0x129: {  	[sflag:s17] =	ssyncset.done $0x0  }
0x12a: {  	s30 =	sadd.s32 $0x15300, s29;
	[sflag:s17] =	ssyncadd.s32 $0xFFFFD800  }
0x12b: {  	[spmem:s3] =	stream.indirect.scatter.add.f32 [tilespmem:s20], [sflag:$0x5], $0x80, s30, s18, $0xb8;
	[tilespmem:$0x1E580] =	vst v63  }
0x12c: {  	_ = 	snop  }
0x12d: {  	[spmem:s4] =	stream.indirect.scatter.add.f32 [tilespmem:s22], [sflag:$0x7], $0x1, s30, s18, $0xb8;
	[tilespmem:$0x1E580] =	vst v63  }
0x12e: {  	_ =	swait.ge [sflag:s10], $0x50  }
0x12f: {  	[sflag:s10] =	ssyncset.done $0x0  }
0x130: {  	[sflag:s10] =	ssyncadd.s32 $0xFFFFFFB0  }
0x131: {  	_ =	swait.ge [sflag:s14], $0x2800  }
0x132: {  	[sflag:s14] =	ssyncset.done $0x0  }
0x133: {  	s30 =	sadd.s32 $0x14480, s29;
	[sflag:s14] =	ssyncadd.s32 $0xFFFFD800  }
0x134: {  	[tilespmem:s20], [sflag:$0x2] =	stream.indirect.gather [hbm4b:s0+s18], $0x80, s30, s18, $0xb8;
	[tilespmem:$0x1E580] =	vst v63  }
0x135: {  	_ =	swait.ge [sflag:s23], $0x2800  }
0x136: {  	[sflag:s23] =	ssyncset.done $0x0  }
0x137: {  	s30 =	sadd.s32 $0x15380, s29;
	[sflag:s23] =	ssyncadd.s32 $0xFFFFD800  }
0x138: {  	[spmem:s3] =	stream.indirect.scatter.add.f32 [tilespmem:s21], [sflag:$0x6], $0x80, s30, s18, $0xb8;
	[tilespmem:$0x1E580] =	vst v63  }
0x139: {  	_ = 	snop  }
0x13a: {  	[spmem:s4] =	stream.indirect.scatter.add.f32 [tilespmem:s22], [sflag:$0x7], $0x1, s30, s18, $0xb8;
	[tilespmem:$0x1E580] =	vst v63  }
0x13b: {  	_ =	swait.ge [sflag:s10], $0x50  }
.Ltmp2:
0x13c: {  	[sflag:s10] =	ssyncset.done $0x0;
	(pc) =	sbr.rel @p0 .LBB2_7-.Ltmp2, $4  }
0x13d: {  	[sflag:s10] =	ssyncadd.s32 $0xFFFFFFB0  }
0x13e: {  	_ =	swait.ge [sflag:s24], $0x2800  }
0x13f: {  	[sflag:s24] =	ssyncset.done $0x0  }
0x140: {  	s29 =	sadd.s32 $0x14500, s29;
	[sflag:s24] =	ssyncadd.s32 $0xFFFFD800  }
0x141: {  	[tilespmem:s21], [sflag:$0x3] =	stream.indirect.gather [hbm4b:s0+s18], $0x80, s29, s18, $0xb8;
	[tilespmem:$0x1E580] =	vst v63  }
0x142: {  	_ =	swait.ge [sflag:s16], $0x2800  }
0x143: {  	s28 =	sshra.s32 s28, $0x2;
	[sflag:s16] =	ssyncset.done $0x0  }
0x144: {  	s31 =	sadd.s32 $0x15280, s28;
	[sflag:s16] =	ssyncadd.s32 $0xFFFFD800  }
0x145: {  	[spmem:s3] =	stream.indirect.scatter.add.f32 [tilespmem:s19], [sflag:$0x4], $0x80, s31, s18, $0xb8;
	[tilespmem:$0x1E580] =	vst v63  }
0x146: {  	_ = 	snop  }
0x147: {  	[spmem:s4] =	stream.indirect.scatter.add.f32 [tilespmem:s22], [sflag:$0x7], $0x1, s31, s18, $0xb8;
	[tilespmem:$0x1E580] =	vst v63  }
0x148: {  	_ =	swait.ge [sflag:s10], $0x50  }
0x149: {  	[sflag:s10] =	ssyncset.done $0x0  }
0x14a: {  	[sflag:s10] =	ssyncadd.s32 $0xFFFFFFB0  }
0x14b: {  	_ =	swait.ge [sflag:s13], $0x2800  }
0x14c: {  	[sflag:s13] =	ssyncset.done $0x0  }
0x14d: {  	s30 =	sadd.s32 $0x14400, s28;
	[sflag:s13] =	ssyncadd.s32 $0xFFFFD800  }
0x14e: {  	[tilespmem:s19], [sflag:$0x1] =	stream.indirect.gather [hbm4b:s0+s18], $0x80, s30, s18, $0xb8;
	[tilespmem:$0x1E580] =	vst v63  }
0x14f: {  	_ =	swait.ge [sflag:s17], $0x2800  }
0x150: {  	[sflag:s17] =	ssyncset.done $0x0  }
0x151: {  	s31 =	sadd.s32 $0x15300, s28;
	[sflag:s17] =	ssyncadd.s32 $0xFFFFD800  }
0x152: {  	[spmem:s3] =	stream.indirect.scatter.add.f32 [tilespmem:s20], [sflag:$0x5], $0x80, s31, s18, $0xb8;
	[tilespmem:$0x1E580] =	vst v63  }
0x153: {  	_ = 	snop  }
0x154: {  	[spmem:s4] =	stream.indirect.scatter.add.f32 [tilespmem:s22], [sflag:$0x7], $0x1, s31, s18, $0xb8;
	[tilespmem:$0x1E580] =	vst v63  }
0x155: {  	_ =	swait.ge [sflag:s10], $0x50  }
0x156: {  	[sflag:s10] =	ssyncset.done $0x0  }
0x157: {  	[sflag:s10] =	ssyncadd.s32 $0xFFFFFFB0  }
0x158: {  	_ =	swait.ge [sflag:s23], $0x2800  }
0x159: {  	[sflag:s23] =	ssyncset.done $0x0  }
0x15a: {  	s28 =	sadd.s32 $0x15380, s28;
	[sflag:s23] =	ssyncadd.s32 $0xFFFFD800  }
0x15b: {  	[spmem:s3] =	stream.indirect.scatter.add.f32 [tilespmem:s21], [sflag:$0x6], $0x80, s28, s18, $0xb8;
	[tilespmem:$0x1E580] =	vst v63  }
0x15c: {  	_ = 	snop  }
0x15d: {  	[spmem:s4] =	stream.indirect.scatter.add.f32 [tilespmem:s22], [sflag:$0x7], $0x1, s28, s18, $0xb8;
	[tilespmem:$0x1E580] =	vst v63  }
0x15e: {  	_ =	swait.ge [sflag:s10], $0x50  }
0x15f: {  	[sflag:s10] =	ssyncset.done $0x0  }
0x160: {  	[sflag:s10] =	ssyncadd.s32 $0xFFFFFFB0  }
0x161: {  	_ =	swait.ge [sflag:s16], $0x2800  }
0x162: {  	[sflag:s16] =	ssyncset.done $0x0  }
0x163: {  	[sflag:s16] =	ssyncadd.s32 $0xFFFFD800  }
0x164: {  	[spmem:s3] =	stream.indirect.scatter.add.f32 [tilespmem:s19], [sflag:$0x4], $0x80, s25, s18, $0xb8;
	[tilespmem:$0x1E580] =	vst v63  }
0x165: {  	_ = 	snop  }
0x166: {  	[spmem:s4] =	stream.indirect.scatter.add.f32 [tilespmem:s22], [sflag:$0x7], $0x1, s25, s18, $0xb8;
	[tilespmem:$0x1E580] =	vst v63  }
0x167: {  	_ =	swait.ge [sflag:s10], $0x50  }
0x168: {  	[sflag:s10] =	ssyncset.done $0x0  }
0x169: {  	[sflag:s10] =	ssyncadd.s32 $0xFFFFFFB0  }
0x16a: {  	_ =	swait.ge [sflag:s13], $0x2800  }
0x16b: {  	[sflag:s13] =	ssyncset.done $0x0  }
0x16c: {  	s26 =	sadd.s32 $0x1, s26;
	[sflag:s13] =	ssyncadd.s32 $0xFFFFD800  }
0x16d: {  	p0 =	sne.s32 s26, $0x5;
	_ =	swait.ge [sflag:s14], $0x2800  }
.Ltmp3:
0x16e: {  	[sflag:s14] =	ssyncset.done $0x0;
	(pc) =	sbr.rel @p0 .LBB2_6-.Ltmp3, $4  }
0x16f: {  	[sflag:s14] =	ssyncadd.s32 $0xFFFFD800  }
0x170: {  	_ =	swait.ge [sflag:s24], $0x2800  }
0x171: {  	[sflag:s24] =	ssyncset.done $0x0  }
0x172: {  	[sflag:s24] =	ssyncadd.s32 $0xFFFFD800  }
0x173: {  	s26 =	stileid.u32;
	[bflag:$0x0] =	sbarrier.arrive $0xFFFF  }
0x174: {  	s29 =	sshrl.u32 s7, $0x3;
	s31 =	simm.s32 $0x10;
	s26 =	sshll.u32 s26, $0x6  }
0x175: {  	s30 =	rddreg [dreg:$0x8];
	s28 =	sor.u32 $0x1C01, s26;
	s26 =	sor.u32 $0x1C02, s26  }
0x176: {  	[hbm:s30], [sflag:s28] =	dma.local [spmem:s29], $0x2800  }
0x177: {  	s28 =	sshrl.u32 s8, $0x3;
	s30 =	simm.s32 $0x20;
	s29 =	rddreg [dreg:$0x9]  }
0x178: {  	[hbm:s29@s30], [sflag:s26] =	dma.strided [spmem:s28@s31], $0x50, s16, $0x10   }
0x179: {  	_ =	swait.ge [sflag:s16], $0x2800  }
0x17a: {  	[sflag:s16] =	ssyncset.done $0x0  }
0x17b: {  	[sflag:s16] =	ssyncadd.s32 $0xFFFFD800  }
0x17c: {  	_ =	swait.ge [sflag:s17], $0x50  }
0x17d: {  	s5 =	sadd.s32 $0x1, s5;
	s31 =	rddreg [dreg:$0xa]  }
0x17e: {  	p0 =	sne.s32 s5, s31  }
.Ltmp4:
0x17f: {  	_ = 	snop;
	(pc) =	sbr.rel @p0 .LBB2_1-.Ltmp4, $3  }
0x180: {  	_ =	sdelay $0x1  }
0x181: {  	[sflag:s17] =	ssyncset.done $0x0  }
0x182: {  	[sflag:s17] =	ssyncadd.s32 $0xFFFFFFB0  }
0x183: {  	_ =	sfence.sel $0x180000  }
0x184: {  	[bflag:$0x0] =	sbarrier.arrive $0xFFFF  }
0x185: {  	_ =	strace $0x90000047  }
0x186: {  	s0 =	stileid.u32;
	[bflag:$0x2] =	sbarrier.arrive $0xFFFF  }
0x187: {  	p0 =	sne.s32 s0, $0x0;
	s0 =	rddreg [dreg:$0x5]  }
0x188: {  	s0 =	sadd.s32 @!p0 $0x100000, s0  }
0x189: {  	[sflag:s0] =	ssyncadd.tile.s32 @!p0 $0x1;
	_ =	shalt  }
.Lfunc_end2:
_tile_overlayer_lowered:
.L_overlay_start_2:
0x18a: {  	(tag) =	ssettag $0x2  }
0x18b: {  	s0 =	rddreg [dreg:$0x0];
	s2 =	stileid.u32  }
0x18c: {  	s1 =	rddreg [dreg:$0x1];
	p0 =	sne.s32 s2, $0x0  }
0x18d: {  	s3 =	rddreg [dreg:$0x2];
	[bflag:$0x3] =	sbarrier.arrive $0xFFFF;
	s2 =	simm.s32 @!p0 $0x1C07  }
0x18e: {  	[timem:s3], [sflag:s2] =	dma.local @!p0 [hbm:s0], s1  }
0x18f: {  	s0 =	simm.s32 @!p0 $0x7  }
0x190: {  	_ =	swait.ge @!p0 [sflag:s0], s1  }
0x191: {  	s1 =	ssub.s32 @!p0 $0x0, s1;
	[sflag:s0] =	ssyncset.done @!p0 $0x0  }
0x192: {  	[sflag:s0] =	ssyncadd.s32 @!p0 s1  }
0x193: {  	[bflag:$0x3] =	sbarrier.arrive $0xFFFF  }
0x194: {  	_ =	shalt  }

</sc_bundles>
